<compile_context>
chip_gen: v7x
topology: tpu7x:2x2x1
jax: 0.10.2.dev20260603
libtpu: 0.0.44.dev20260713+nightly
codegen_flags: <defaults>
</compile_context>

<pallas_src>
import functools
import jax
import jax.numpy as jnp
import numpy as np
from jax import lax
from jax.experimental import pallas as pl
from jax.experimental.pallas import tpu as pltpu
from jax.experimental.pallas import tpu_sc as plsc

S = 2048
D = 1024
H = 16
KV = 2
DH = 64
E = 8
DFF = 2048
EPS = 1e-05

SB = 256
BLK = 128
NB = 40
NPAD = NB * BLK
NA = 2 * S
NW = 32
RPW = NPAD // NW


def _rms(v, scale, eps=EPS):
    ms = jnp.mean(v * v, axis=-1, keepdims=True)
    return v * lax.rsqrt(ms + eps) * scale


def _f32(v):
    return v.astype(jnp.float32)


def _bf(v):
    return _f32(v.astype(jnp.bfloat16))


def _segsum(p, Sseg):
    hi = _bf(p)
    r1 = p - hi
    hi2 = _bf(r1)
    hi3 = _bf(r1 - hi2)
    acc = jnp.dot(hi, Sseg, preferred_element_type=jnp.float32)
    acc += jnp.dot(hi2, Sseg, preferred_element_type=jnp.float32)
    acc += jnp.dot(hi3, Sseg, preferred_element_type=jnp.float32)
    return acc


def _attn_body(xb_ref, pres_ref, posts_ref, premoe_ref, Wq_ref, Wk_ref,
               Wv_ref, Wo_ref, Wr_ref, y_ref, xn2b_ref, mask_ref,
               pos_ref, gates_ref, be_ref, w_acc):
    blk = pl.program_id(0)
    xb = xb_ref[...]
    xn = _rms(xb, pres_ref[...])
    q = jnp.dot(xn, Wq_ref[...], preferred_element_type=jnp.float32)
    kk = jnp.dot(xn, Wk_ref[...], preferred_element_type=jnp.float32)
    vv = jnp.dot(xn, Wv_ref[...], preferred_element_type=jnp.float32)
    k0, k1 = kk[:, :DH], kk[:, DH:]
    v0, v1 = vv[:, :DH], vv[:, DH:]
    krep0 = jnp.concatenate([k0] * H, axis=1)
    krep1 = jnp.concatenate([k1] * H, axis=1)
    r_i = lax.broadcasted_iota(jnp.int32, (H * DH, H), 0)
    c_i = lax.broadcasted_iota(jnp.int32, (H * DH, H), 1)
    Sseg = ((r_i // DH) == c_i).astype(jnp.float32)
    scale = 1.0 / np.sqrt(DH)
    qb = _bf(q)
    A0 = _segsum(qb * _bf(krep0), Sseg) * scale
    A1 = _segsum(qb * _bf(krep1), Sseg) * scale
    m = jnp.maximum(A0, A1)
    h_i = lax.broadcasted_iota(jnp.int32, (SB, H), 1)
    n0 = jnp.minimum(h_i + 1, 8).astype(jnp.float32)
    n1 = jnp.maximum(h_i - 7, 0).astype(jnp.float32)
    e0 = jnp.exp(A0 - m)
    e1 = jnp.exp(A1 - m)
    z = n0 * e0 + n1 * e1
    w0 = e0 / z
    w1 = e1 / z
    rr = lax.broadcasted_iota(jnp.int32, (H, H * DH), 0)
    cc = lax.broadcasted_iota(jnp.int32, (H, H * DH), 1)
    Eseg = ((cc // DH) == rr).astype(jnp.float32)
    W0 = jnp.dot(_bf(w0), Eseg, preferred_element_type=jnp.float32)
    W1 = jnp.dot(_bf(w1), Eseg, preferred_element_type=jnp.float32)
    vb0 = _bf(jnp.concatenate([v0] * H, axis=1))
    vb1 = _bf(jnp.concatenate([v1] * H, axis=1))
    l_i = lax.broadcasted_iota(jnp.int32, (SB, H * DH), 1) // DH
    n0f = jnp.minimum(l_i + 1, 8).astype(jnp.float32)
    n1f = jnp.maximum(l_i - 7, 0).astype(jnp.float32)
    attn = n0f * (W0 * vb0) + n1f * (W1 * vb1)
    mqa = jnp.dot(attn, Wo_ref[...], preferred_element_type=jnp.float32)
    y = xb + _rms(mqa, posts_ref[...])
    y_ref[...] = y
    xn2 = _rms(y, premoe_ref[...])
    lo = lax.bitcast_convert_type(_bf(xn2[:, :D // 2]), jnp.int32)
    hi = lax.bitcast_convert_type(_bf(xn2[:, D // 2:]), jnp.int32)
    xn2b_ref[...] = lax.shift_right_logical(lo, 16) | hi
    logits = jnp.dot(xn2, Wr_ref[...], preferred_element_type=jnp.float32)
    lm = jnp.max(logits, axis=1, keepdims=True)
    p = jnp.exp(logits - lm)
    p = p / jnp.sum(p, axis=1, keepdims=True)
    e_i = lax.broadcasted_iota(jnp.int32, (SB, E), 1)
    m1 = jnp.max(p, axis=1, keepdims=True)
    i1 = jnp.min(jnp.where(p == m1, e_i, E), axis=1, keepdims=True)
    p2 = jnp.where(e_i == i1, -1.0, p)
    m2 = jnp.max(p2, axis=1, keepdims=True)
    i2 = jnp.min(jnp.where(p2 == m2, e_i, E), axis=1, keepdims=True)
    tv1 = m1 / (m1 + m2)
    tv2 = m2 / (m1 + m2)
    w_all = (jnp.where(e_i == i1, tv1, 0.0) + jnp.where(e_i == i2, tv2, 0.0))
    w_acc[pl.ds(blk * SB, SB), :] = w_all
    mask_ref[...] = (w_all > 0).astype(jnp.float32)

    @pl.when(blk == S // SB - 1)
    def _route():
        _route_tail(w_acc[...], pos_ref, gates_ref, be_ref)


def _route_tail(w_all, pos_ref, gates_ref, be_ref):
    maskb = w_all > 0.0
    maskf = maskb.astype(jnp.float32)
    r_i = lax.broadcasted_iota(jnp.int32, (S, S), 0)
    c_i = lax.broadcasted_iota(jnp.int32, (S, S), 1)
    L = (c_i < r_i).astype(jnp.float32)
    rank = jnp.dot(L, maskf, preferred_element_type=jnp.float32)
    counts = jnp.sum(maskf, axis=0, keepdims=True)
    nb = jnp.floor((counts + (BLK - 1)) * (1.0 / BLK))
    rr = lax.broadcasted_iota(jnp.int32, (E, E), 0)
    cc = lax.broadcasted_iota(jnp.int32, (E, E), 1)
    T8 = (rr < cc).astype(jnp.float32)
    starts = jnp.dot(nb, T8, preferred_element_type=jnp.float32)
    off = starts * float(BLK)
    posf = off + rank
    e_i = lax.broadcasted_iota(jnp.int32, (S, E), 1)
    e1 = jnp.min(jnp.where(maskb, e_i, E), axis=1, keepdims=True)
    e2 = jnp.max(jnp.where(maskb, e_i, -1), axis=1, keepdims=True)
    sel1 = e_i == e1
    sel2 = e_i == e2
    p1 = jnp.sum(jnp.where(sel1, posf, 0.0), axis=1, keepdims=True)
    p2 = jnp.sum(jnp.where(sel2, posf, 0.0), axis=1, keepdims=True)
    g1 = jnp.sum(jnp.where(sel1, w_all, 0.0), axis=1, keepdims=True)
    g2 = jnp.sum(jnp.where(sel2, w_all, 0.0), axis=1, keepdims=True)
    pos_ref[...] = jnp.concatenate([p1, p2], axis=1).astype(jnp.int32)
    gates_ref[...] = jnp.concatenate([g1, g2], axis=1)
    b_i = lax.broadcasted_iota(jnp.int32, (NB, E), 0).astype(jnp.float32)
    ge = (b_i >= starts).astype(jnp.float32)
    be = jnp.sum(ge, axis=1, keepdims=True) - 1.0
    be_ref[...] = jnp.broadcast_to(be, (NB, E))


_SC_MESH = plsc.VectorSubcoreMesh(core_axis_name="c", subcore_axis_name="s")
DP = D // 2
TPW = S // NW


@functools.partial(
    pl.kernel, mesh=_SC_MESH,
    out_type=jax.ShapeDtypeStruct((NPAD, DP), jnp.int32),
    scratch_types=[
        pltpu.VMEM((1, TPW), jnp.int32),
        pltpu.VMEM((1, TPW), jnp.int32),
        pltpu.VMEM((TPW, DP), jnp.int32),
        pltpu.SemaphoreType.DMA,
        pltpu.SemaphoreType.DMA,
        pltpu.SemaphoreType.DMA,
        pltpu.SemaphoreType.DMA,
        pltpu.SemaphoreType.DMA,
    ],
)
def _sc_scatter_rows(p1_hbm, p2_hbm, xp_hbm, xg_hbm, idx1, idx2, buf,
                     ls, is1, is2, ws1, ws2):
    c = lax.axis_index("c")
    s = lax.axis_index("s")
    wid = s * 2 + c
    l0 = pltpu.async_copy(xp_hbm.at[pl.ds(wid * TPW, TPW)], buf, ls)
    l1 = pltpu.async_copy(p1_hbm.at[pl.ds(wid, 1)], idx1, is1)
    l2 = pltpu.async_copy(p2_hbm.at[pl.ds(wid, 1)], idx2, is2)
    l0.wait()
    l1.wait()
    l2.wait()
    w1 = pltpu.async_copy(buf, xg_hbm.at[idx1.at[0]], ws1)
    w2 = pltpu.async_copy(buf, xg_hbm.at[idx2.at[0]], ws2)
    w1.wait()
    w2.wait()


@functools.partial(
    pl.kernel, mesh=_SC_MESH,
    out_type=[
        jax.ShapeDtypeStruct((S, DP), jnp.int32),
        jax.ShapeDtypeStruct((S, DP), jnp.int32),
    ],
    scratch_types=[
        pltpu.VMEM((1, TPW), jnp.int32),
        pltpu.VMEM((1, TPW), jnp.int32),
        pltpu.VMEM((TPW, DP), jnp.int32),
        pltpu.VMEM((TPW, DP), jnp.int32),
        pltpu.SemaphoreType.DMA,
        pltpu.SemaphoreType.DMA,
        pltpu.SemaphoreType.DMA,
        pltpu.SemaphoreType.DMA,
        pltpu.SemaphoreType.DMA,
        pltpu.SemaphoreType.DMA,
    ],
)
def _sc_gather_back(p1_hbm, p2_hbm, h_hbm, g1_hbm, g2_hbm, idx1, idx2,
                    buf0, buf1, is1, is2, gs0, gs1, ws0, ws1):
    c = lax.axis_index("c")
    s = lax.axis_index("s")
    wid = s * 2 + c
    l1 = pltpu.async_copy(p1_hbm.at[pl.ds(wid, 1)], idx1, is1)
    l2 = pltpu.async_copy(p2_hbm.at[pl.ds(wid, 1)], idx2, is2)
    l1.wait()
    l2.wait()
    g0 = pltpu.async_copy(h_hbm.at[idx1.at[0]], buf0, gs0)
    g1c = pltpu.async_copy(h_hbm.at[idx2.at[0]], buf1, gs1)
    g0.wait()
    w0 = pltpu.async_copy(buf0, g1_hbm.at[pl.ds(wid * TPW, TPW)], ws0)
    g1c.wait()
    w1 = pltpu.async_copy(buf1, g2_hbm.at[pl.ds(wid * TPW, TPW)], ws1)
    w0.wait()
    w1.wait()


_HMASK = np.int32(-65536)


def _unpack(xp):
    lo = lax.bitcast_convert_type(lax.shift_left(xp, 16), jnp.float32)
    hi = lax.bitcast_convert_type(xp & _HMASK, jnp.float32)
    return lo, hi


def _pack(lo, hi):
    loi = lax.bitcast_convert_type(_bf(lo), jnp.int32)
    hii = lax.bitcast_convert_type(_bf(hi), jnp.int32)
    return lax.shift_right_logical(loi, 16) | hii


def _expert_body(be_ref, xg_ref, w1_ref, w2_ref, h_ref):
    lo, hi = _unpack(xg_ref[...])
    xb = jnp.concatenate([lo, hi], axis=1).astype(jnp.bfloat16)
    h = jnp.dot(xb, w1_ref[0], preferred_element_type=jnp.float32)
    h = h / (1.0 + jnp.exp(-h))
    o = jnp.dot(h.astype(jnp.bfloat16), w2_ref[0],
                preferred_element_type=jnp.float32)
    h_ref[...] = _pack(o[:, :D // 2], o[:, D // 2:])


def _final_body(y_ref, g1_ref, g2_ref, gates_ref, postmoe_ref, out_ref):
    g = gates_ref[...]
    a_lo, a_hi = _unpack(g1_ref[...])
    b_lo, b_hi = _unpack(g2_ref[...])
    moe = jnp.concatenate(
        [g[:, 0:1] * a_lo + g[:, 1:2] * b_lo,
         g[:, 0:1] * a_hi + g[:, 1:2] * b_hi], axis=1)
    out_ref[...] = y_ref[...] + _rms(moe, postmoe_ref[...])


def kernel(x, pre_mqa_scale, post_mqa_scale, pre_moe_scale, post_moe_scale,
           Wq, Wk, Wv, Wo, Wr, w1, w2):
    xs = x.reshape(S, D).astype(jnp.float32)
    pres = pre_mqa_scale.reshape(1, D)
    posts = post_mqa_scale.reshape(1, D)
    premoe = pre_moe_scale.reshape(1, D)
    postmoe = post_moe_scale.reshape(1, D)
    w1b = w1.astype(jnp.bfloat16)
    w2b = w2.astype(jnp.bfloat16)

    full = lambda shape: pl.BlockSpec(shape, lambda i: (0,) * len(shape))
    y, xnb, mask, pos2, gates2, beM = pl.pallas_call(
        _attn_body,
        grid=(S // SB,),
        in_specs=[
            pl.BlockSpec((SB, D), lambda i: (i, 0)),
            full((1, D)), full((1, D)), full((1, D)),
            full((D, H * DH)), full((D, KV * DH)), full((D, KV * DH)),
            full((H * DH, D)), full((D, E)),
        ],
        out_specs=[
            pl.BlockSpec((SB, D), lambda i: (i, 0)),
            pl.BlockSpec((SB, D // 2), lambda i: (i, 0)),
            pl.BlockSpec((SB, E), lambda i: (i, 0)),
            full((S, 2)), full((S, 2)), full((NB, E)),
        ],
        out_shape=[
            jax.ShapeDtypeStruct((S, D), jnp.float32),
            jax.ShapeDtypeStruct((S, D // 2), jnp.int32),
            jax.ShapeDtypeStruct((S, E), jnp.float32),
            jax.ShapeDtypeStruct((S, 2), jnp.int32),
            jax.ShapeDtypeStruct((S, 2), jnp.float32),
            jax.ShapeDtypeStruct((NB, E), jnp.float32),
        ],
        scratch_shapes=[pltpu.VMEM((S, E), jnp.float32)],
    )(xs, pres, posts, premoe, Wq, Wk, Wv, Wo, Wr)

    blk_expert = beM[:, 0].astype(jnp.int32)
    p1_2d = pos2[:, 0].reshape(NW, TPW)
    p2_2d = pos2[:, 1].reshape(NW, TPW)

    xg = _sc_scatter_rows(p1_2d, p2_2d, xnb)

    grid_spec = pltpu.PrefetchScalarGridSpec(
        num_scalar_prefetch=1,
        grid=(NB,),
        in_specs=[
            pl.BlockSpec((BLK, D // 2), lambda i, be: (i, 0)),
            pl.BlockSpec((1, D, DFF), lambda i, be: (be[i], 0, 0)),
            pl.BlockSpec((1, DFF, D), lambda i, be: (be[i], 0, 0)),
        ],
        out_specs=pl.BlockSpec((BLK, D // 2), lambda i, be: (i, 0)),
    )
    hrows = pl.pallas_call(
        _expert_body,
        grid_spec=grid_spec,
        out_shape=jax.ShapeDtypeStruct((NPAD, D // 2), jnp.int32),
    )(blk_expert, xg, w1b, w2b)

    g1, g2 = _sc_gather_back(p1_2d, p2_2d, hrows)

    out = pl.pallas_call(
        _final_body,
        grid=(S // SB,),
        in_specs=[
            pl.BlockSpec((SB, D), lambda i: (i, 0)),
            pl.BlockSpec((SB, D // 2), lambda i: (i, 0)),
            pl.BlockSpec((SB, D // 2), lambda i: (i, 0)),
            pl.BlockSpec((SB, 2), lambda i: (i, 0)),
            full((1, D)),
        ],
        out_specs=pl.BlockSpec((SB, D), lambda i: (i, 0)),
        out_shape=jax.ShapeDtypeStruct((S, D), jnp.float32),
    )(y, g1, g2, gates2, postmoe)

    return out.reshape(1, S, D), mask

# --- scband reference (transcript-rebuilt; emitter-appended) ---
"""Pipeline reference for scband-decoder-layer-27848567947431 (READ-ONLY COPY).

The authoritative reference and input builder live on the scoring server;
editing this copy changes nothing except your own understanding.
"""

import jax, jax.numpy as jnp
import numpy as np

B, S = 1, 2048
D, H, KV, DH = 1024, 16, 2, 64
E, TOPK, DFF = 8, 2, 2048
EPS = 1e-05

def rmsnorm(x, scale):
    ms = jnp.mean(x * x, axis=-1, keepdims=True)
    return x * jax.lax.rsqrt(ms + EPS) * scale

def mqa(x, Wq, Wk, Wv, Wo):
    b, s, _ = x.shape
    q = (x @ Wq).reshape(b, s, H, DH)
    k = (x @ Wk).reshape(b, s, KV, DH)
    v = (x @ Wv).reshape(b, s, KV, DH)
    rep = H // KV
    k = jnp.repeat(k, rep, axis=2)
    v = jnp.repeat(v, rep, axis=2)
    # Faithful to the torch fallback path: _standard_attention is called on
    # [B, S, H, dh] tensors (no transpose), so attention runs over the HEAD axis
    # with an HxH causal mask. We replicate that exactly.
    scale = 1.0 / np.sqrt(DH)
    scores = jnp.einsum('bsqd,bskd->bsqk', q, k) * scale  # [B, S, H, H]
    mask = jnp.triu(jnp.ones((H, H), dtype=bool), k=1)
    scores = jnp.where(mask, -jnp.inf, scores)
    w = jax.nn.softmax(scores, axis=-1)
    out = jnp.einsum('bsqk,bskd->bsqd', w, v).reshape(b, s, H * DH)
    return out @ Wo

def moe(x, Wr, w1, w2):
    b, s, d = x.shape
    xf = x.reshape(b * s, d)
    logits = xf @ Wr
    probs = jax.nn.softmax(logits, axis=-1)
    topv, topi = jax.lax.top_k(probs, TOPK)
    topv = topv / jnp.sum(topv, axis=-1, keepdims=True)
    out = jnp.zeros_like(xf)
    mask_cols = []
    for e in range(E):
        w = jnp.sum(jnp.where(topi == e, topv, 0.0), axis=-1)  # [T]
        h = jax.nn.silu(xf @ w1[e]) @ w2[e]
        out = out + w[:, None] * h
        mask_cols.append((w > 0).astype(xf.dtype))
    router_mask = jnp.stack(mask_cols, axis=-1)  # [T, E]
    return out.reshape(b, s, d), router_mask

def setup_inputs(seed: int = 0) -> dict:
    key = jax.random.key(seed)
    ks = jax.random.split(key, 9)
    def init(k, shape, s=0.02):
        return jax.random.normal(k, shape, dtype=jnp.float32) * s
    return {
        'x': jax.random.normal(ks[0], (B, S, D), dtype=jnp.float32),
        'pre_mqa_scale': jnp.ones((D,), jnp.float32),
        'post_mqa_scale': jnp.ones((D,), jnp.float32),
        'pre_moe_scale': jnp.ones((D,), jnp.float32),
        'post_moe_scale': jnp.ones((D,), jnp.float32),
        'Wq': init(ks[1], (D, H * DH)),
        'Wk': init(ks[2], (D, KV * DH)),
        'Wv': init(ks[3], (D, KV * DH)),
        'Wo': init(ks[4], (H * DH, D)),
        'Wr': init(ks[5], (D, E)),
        'w1': init(ks[6], (E, D, DFF)),
        'w2': init(ks[7], (E, DFF, D)),
    }

def reference(x, pre_mqa_scale, post_mqa_scale, pre_moe_scale, post_moe_scale, Wq, Wk, Wv, Wo, Wr, w1, w2):
    x = x.astype(jnp.float32)
    mqa_out = mqa(rmsnorm(x, pre_mqa_scale), Wq, Wk, Wv, Wo)
    x = x + rmsnorm(mqa_out, post_mqa_scale)
    moe_out, router_mask = moe(rmsnorm(x, pre_moe_scale), Wr, w1, w2)
    x = x + rmsnorm(moe_out, post_moe_scale)
    return x, router_mask

if __name__ == "__main__":
    import jax
    _d = setup_inputs()
    print(jax.jit(kernel)(*tuple(_d.values())))

</pallas_src>

<mosaic_0001>
#map = affine_map<(d0, d1) -> (0, 0)>
module attributes {stable_mosaic.version = 14 : i64} {
  func.func @_sc_scatter_rows(%arg0: i32, %arg1: i32, %arg2: memref<32x64xi32, #tpu.memory_space<hbm>>, %arg3: memref<32x64xi32, #tpu.memory_space<hbm>>, %arg4: memref<2048x512xi32, #tpu.memory_space<hbm>>, %arg5: memref<5120x512xi32, #tpu.memory_space<hbm>>, %arg6: memref<1x64xi32, #tpu.memory_space<vmem>>, %arg7: memref<1x64xi32, #tpu.memory_space<vmem>>, %arg8: memref<64x512xi32, #tpu.memory_space<vmem>>, %arg9: memref<!tpu.dma_semaphore, #tpu.memory_space<semaphore_mem>>, %arg10: memref<!tpu.dma_semaphore, #tpu.memory_space<semaphore_mem>>, %arg11: memref<!tpu.dma_semaphore, #tpu.memory_space<semaphore_mem>>, %arg12: memref<!tpu.dma_semaphore, #tpu.memory_space<semaphore_mem>>, %arg13: memref<!tpu.dma_semaphore, #tpu.memory_space<semaphore_mem>>) attributes {dimension_semantics = [#tpu.dimension_semantics<core_parallel>, #tpu.dimension_semantics<subcore_parallel>], iteration_bounds = array<i64: 2, 16>, scalar_prefetch = 0 : i64, scratch_operands = 8 : i64, tpu.core_type = #tpu.core_type<sc_vector_subcore>, window_params = [{transform_indices = #map}, {transform_indices = #map}, {transform_indices = #map}, {transform_indices = #map}]} {
    %mul3A = arith.constant 2 : i32
    %mul3A_0 = arith.muli %arg1, %mul3A : i32
    %add3A = arith.addi %mul3A_0, %arg0 : i32
    %mul3A_1 = arith.constant 64 : i32
    %mul3A_2 = arith.muli %add3A, %mul3A_1 : i32
    %dma_start3A = arith.constant 0 : i32
    %dma_start3A_3 = tpu.memref_slice %arg4[%mul3A_2, %dma_start3A] : memref<2048x512xi32, #tpu.memory_space<hbm>> -> memref<64x512xi32, #tpu.memory_space<hbm>>
    %dma_start3A_4 = arith.constant 0 : i32
    %dma_start3A_5 = tpu.memref_slice %arg4[%mul3A_2, %dma_start3A_4] : memref<2048x512xi32, #tpu.memory_space<hbm>> -> memref<64x512xi32, #tpu.memory_space<hbm>>
    tpu.enqueue_dma source(%dma_start3A_5 : memref<64x512xi32, #tpu.memory_space<hbm>>) target(%arg8 : memref<64x512xi32, #tpu.memory_space<vmem>>) target_semaphore(%arg9 : memref<!tpu.dma_semaphore, #tpu.memory_space<semaphore_mem>>)
    %dma_start3A_6 = arith.constant 0 : i32
    %dma_start3A_7 = tpu.memref_slice %arg2[%add3A, %dma_start3A_6] : memref<32x64xi32, #tpu.memory_space<hbm>> -> memref<1x64xi32, #tpu.memory_space<hbm>>
    %dma_start3A_8 = arith.constant 0 : i32
    %dma_start3A_9 = tpu.memref_slice %arg2[%add3A, %dma_start3A_8] : memref<32x64xi32, #tpu.memory_space<hbm>> -> memref<1x64xi32, #tpu.memory_space<hbm>>
    tpu.enqueue_dma source(%dma_start3A_9 : memref<1x64xi32, #tpu.memory_space<hbm>>) target(%arg6 : memref<1x64xi32, #tpu.memory_space<vmem>>) target_semaphore(%arg10 : memref<!tpu.dma_semaphore, #tpu.memory_space<semaphore_mem>>)
    %dma_start3A_10 = arith.constant 0 : i32
    %dma_start3A_11 = tpu.memref_slice %arg3[%add3A, %dma_start3A_10] : memref<32x64xi32, #tpu.memory_space<hbm>> -> memref<1x64xi32, #tpu.memory_space<hbm>>
    %dma_start3A_12 = arith.constant 0 : i32
    %dma_start3A_13 = tpu.memref_slice %arg3[%add3A, %dma_start3A_12] : memref<32x64xi32, #tpu.memory_space<hbm>> -> memref<1x64xi32, #tpu.memory_space<hbm>>
    tpu.enqueue_dma source(%dma_start3A_13 : memref<1x64xi32, #tpu.memory_space<hbm>>) target(%arg7 : memref<1x64xi32, #tpu.memory_space<vmem>>) target_semaphore(%arg11 : memref<!tpu.dma_semaphore, #tpu.memory_space<semaphore_mem>>)
    %dma_wait3A = arith.constant 0 : i32
    %dma_wait3A_14 = tpu.memref_slice %arg4[%mul3A_2, %dma_wait3A] : memref<2048x512xi32, #tpu.memory_space<hbm>> -> memref<64x512xi32, #tpu.memory_space<hbm>>
    %dma_wait3A_15 = arith.constant 0 : i32
    %dma_wait3A_16 = tpu.memref_slice %arg4[%mul3A_2, %dma_wait3A_15] : memref<2048x512xi32, #tpu.memory_space<hbm>> -> memref<64x512xi32, #tpu.memory_space<hbm>>
    tpu.wait_dma2 semaphore(%arg9 : memref<!tpu.dma_semaphore, #tpu.memory_space<semaphore_mem>>) src(%dma_wait3A_16 : memref<64x512xi32, #tpu.memory_space<hbm>>) dst(%arg8 : memref<64x512xi32, #tpu.memory_space<vmem>>)
    %dma_wait3A_17 = arith.constant 0 : i32
    %dma_wait3A_18 = tpu.memref_slice %arg2[%add3A, %dma_wait3A_17] : memref<32x64xi32, #tpu.memory_space<hbm>> -> memref<1x64xi32, #tpu.memory_space<hbm>>
    %dma_wait3A_19 = arith.constant 0 : i32
    %dma_wait3A_20 = tpu.memref_slice %arg2[%add3A, %dma_wait3A_19] : memref<32x64xi32, #tpu.memory_space<hbm>> -> memref<1x64xi32, #tpu.memory_space<hbm>>
    tpu.wait_dma2 semaphore(%arg10 : memref<!tpu.dma_semaphore, #tpu.memory_space<semaphore_mem>>) src(%dma_wait3A_20 : memref<1x64xi32, #tpu.memory_space<hbm>>) dst(%arg6 : memref<1x64xi32, #tpu.memory_space<vmem>>)
    %dma_wait3A_21 = arith.constant 0 : i32
    %dma_wait3A_22 = tpu.memref_slice %arg3[%add3A, %dma_wait3A_21] : memref<32x64xi32, #tpu.memory_space<hbm>> -> memref<1x64xi32, #tpu.memory_space<hbm>>
    %dma_wait3A_23 = arith.constant 0 : i32
    %dma_wait3A_24 = tpu.memref_slice %arg3[%add3A, %dma_wait3A_23] : memref<32x64xi32, #tpu.memory_space<hbm>> -> memref<1x64xi32, #tpu.memory_space<hbm>>
    tpu.wait_dma2 semaphore(%arg11 : memref<!tpu.dma_semaphore, #tpu.memory_space<semaphore_mem>>) src(%dma_wait3A_24 : memref<1x64xi32, #tpu.memory_space<hbm>>) dst(%arg7 : memref<1x64xi32, #tpu.memory_space<vmem>>)
    %dma_start3A_25 = arith.constant 0 : i32
    %dma_start3A_26 = arith.constant 0 : i32
    %dma_start3A_27 = tpu.memref_slice %arg6[%dma_start3A_25, %dma_start3A_26] : memref<1x64xi32, #tpu.memory_space<vmem>> -> memref<1x64xi32, #tpu.memory_space<vmem>>
    %dma_start3A_28 = tpu.memref_squeeze %dma_start3A_27 : memref<1x64xi32, #tpu.memory_space<vmem>> -> memref<64xi32, #tpu.memory_space<vmem>>
    %dma_start3A_29 = arith.constant 0 : i32
    %dma_start3A_30 = arith.constant 0 : i32
    %dma_start3A_31 = tpu.memref_slice %arg5[%dma_start3A_29, %dma_start3A_30] : memref<5120x512xi32, #tpu.memory_space<hbm>> -> memref<5120x512xi32, #tpu.memory_space<hbm>>
    tpu.enqueue_indirect_dma source(%arg8 : memref<64x512xi32, #tpu.memory_space<vmem>>) target(%dma_start3A_31 : memref<5120x512xi32, #tpu.memory_space<hbm>>) offsets(%dma_start3A_28 : memref<64xi32, #tpu.memory_space<vmem>>) semaphore(%arg12 : memref<!tpu.dma_semaphore, #tpu.memory_space<semaphore_mem>>)
    %dma_start3A_32 = arith.constant 0 : i32
    %dma_start3A_33 = arith.constant 0 : i32
    %dma_start3A_34 = tpu.memref_slice %arg7[%dma_start3A_32, %dma_start3A_33] : memref<1x64xi32, #tpu.memory_space<vmem>> -> memref<1x64xi32, #tpu.memory_space<vmem>>
    %dma_start3A_35 = tpu.memref_squeeze %dma_start3A_34 : memref<1x64xi32, #tpu.memory_space<vmem>> -> memref<64xi32, #tpu.memory_space<vmem>>
    %dma_start3A_36 = arith.constant 0 : i32
    %dma_start3A_37 = arith.constant 0 : i32
    %dma_start3A_38 = tpu.memref_slice %arg5[%dma_start3A_36, %dma_start3A_37] : memref<5120x512xi32, #tpu.memory_space<hbm>> -> memref<5120x512xi32, #tpu.memory_space<hbm>>
    tpu.enqueue_indirect_dma source(%arg8 : memref<64x512xi32, #tpu.memory_space<vmem>>) target(%dma_start3A_38 : memref<5120x512xi32, #tpu.memory_space<hbm>>) offsets(%dma_start3A_35 : memref<64xi32, #tpu.memory_space<vmem>>) semaphore(%arg13 : memref<!tpu.dma_semaphore, #tpu.memory_space<semaphore_mem>>)
    %dma_wait3A_39 = arith.constant 0 : i32
    %dma_wait3A_40 = arith.constant 0 : i32
    %dma_wait3A_41 = tpu.memref_slice %arg6[%dma_wait3A_39, %dma_wait3A_40] : memref<1x64xi32, #tpu.memory_space<vmem>> -> memref<1x64xi32, #tpu.memory_space<vmem>>
    %dma_wait3A_42 = tpu.memref_squeeze %dma_wait3A_41 : memref<1x64xi32, #tpu.memory_space<vmem>> -> memref<64xi32, #tpu.memory_space<vmem>>
    %dma_wait3A_43 = arith.constant 0 : i32
    %dma_wait3A_44 = arith.constant 0 : i32
    %dma_wait3A_45 = tpu.memref_slice %arg5[%dma_wait3A_43, %dma_wait3A_44] : memref<5120x512xi32, #tpu.memory_space<hbm>> -> memref<5120x512xi32, #tpu.memory_space<hbm>>
    tpu.wait_indirect_dma semaphore(%arg12 : memref<!tpu.dma_semaphore, #tpu.memory_space<semaphore_mem>>) src(%arg8 : memref<64x512xi32, #tpu.memory_space<vmem>>) dst(%dma_wait3A_45 : memref<5120x512xi32, #tpu.memory_space<hbm>>)
    %dma_wait3A_46 = arith.constant 0 : i32
    %dma_wait3A_47 = arith.constant 0 : i32
    %dma_wait3A_48 = tpu.memref_slice %arg7[%dma_wait3A_46, %dma_wait3A_47] : memref<1x64xi32, #tpu.memory_space<vmem>> -> memref<1x64xi32, #tpu.memory_space<vmem>>
    %dma_wait3A_49 = tpu.memref_squeeze %dma_wait3A_48 : memref<1x64xi32, #tpu.memory_space<vmem>> -> memref<64xi32, #tpu.memory_space<vmem>>
    %dma_wait3A_50 = arith.constant 0 : i32
    %dma_wait3A_51 = arith.constant 0 : i32
    %dma_wait3A_52 = tpu.memref_slice %arg5[%dma_wait3A_50, %dma_wait3A_51] : memref<5120x512xi32, #tpu.memory_space<hbm>> -> memref<5120x512xi32, #tpu.memory_space<hbm>>
    tpu.wait_indirect_dma semaphore(%arg13 : memref<!tpu.dma_semaphore, #tpu.memory_space<semaphore_mem>>) src(%arg8 : memref<64x512xi32, #tpu.memory_space<vmem>>) dst(%dma_wait3A_52 : memref<5120x512xi32, #tpu.memory_space<hbm>>)
    return
  }
}

#map = affine_map<(d0, d1) -> (0, 0)>
module attributes {stable_mosaic.version = 14 : i64} {
  func.func @_sc_gather_back(%arg0: i32, %arg1: i32, %arg2: memref<32x64xi32, #tpu.memory_space<hbm>>, %arg3: memref<32x64xi32, #tpu.memory_space<hbm>>, %arg4: memref<5120x512xi32, #tpu.memory_space<hbm>>, %arg5: memref<2048x512xi32, #tpu.memory_space<hbm>>, %arg6: memref<2048x512xi32, #tpu.memory_space<hbm>>, %arg7: memref<1x64xi32, #tpu.memory_space<vmem>>, %arg8: memref<1x64xi32, #tpu.memory_space<vmem>>, %arg9: memref<64x512xi32, #tpu.memory_space<vmem>>, %arg10: memref<64x512xi32, #tpu.memory_space<vmem>>, %arg11: memref<!tpu.dma_semaphore, #tpu.memory_space<semaphore_mem>>, %arg12: memref<!tpu.dma_semaphore, #tpu.memory_space<semaphore_mem>>, %arg13: memref<!tpu.dma_semaphore, #tpu.memory_space<semaphore_mem>>, %arg14: memref<!tpu.dma_semaphore, #tpu.memory_space<semaphore_mem>>, %arg15: memref<!tpu.dma_semaphore, #tpu.memory_space<semaphore_mem>>, %arg16: memref<!tpu.dma_semaphore, #tpu.memory_space<semaphore_mem>>) attributes {dimension_semantics = [#tpu.dimension_semantics<core_parallel>, #tpu.dimension_semantics<subcore_parallel>], iteration_bounds = array<i64: 2, 16>, scalar_prefetch = 0 : i64, scratch_operands = 10 : i64, tpu.core_type = #tpu.core_type<sc_vector_subcore>, window_params = [{transform_indices = #map}, {transform_indices = #map}, {transform_indices = #map}, {transform_indices = #map}, {transform_indices = #map}]} {
    %mul3A = arith.constant 2 : i32
    %mul3A_0 = arith.muli %arg1, %mul3A : i32
    %add3A = arith.addi %mul3A_0, %arg0 : i32
    %dma_start3A = arith.constant 0 : i32
    %dma_start3A_1 = tpu.memref_slice %arg2[%add3A, %dma_start3A] : memref<32x64xi32, #tpu.memory_space<hbm>> -> memref<1x64xi32, #tpu.memory_space<hbm>>
    %dma_start3A_2 = arith.constant 0 : i32
    %dma_start3A_3 = tpu.memref_slice %arg2[%add3A, %dma_start3A_2] : memref<32x64xi32, #tpu.memory_space<hbm>> -> memref<1x64xi32, #tpu.memory_space<hbm>>
    tpu.enqueue_dma source(%dma_start3A_3 : memref<1x64xi32, #tpu.memory_space<hbm>>) target(%arg7 : memref<1x64xi32, #tpu.memory_space<vmem>>) target_semaphore(%arg11 : memref<!tpu.dma_semaphore, #tpu.memory_space<semaphore_mem>>)
    %dma_start3A_4 = arith.constant 0 : i32
    %dma_start3A_5 = tpu.memref_slice %arg3[%add3A, %dma_start3A_4] : memref<32x64xi32, #tpu.memory_space<hbm>> -> memref<1x64xi32, #tpu.memory_space<hbm>>
    %dma_start3A_6 = arith.constant 0 : i32
    %dma_start3A_7 = tpu.memref_slice %arg3[%add3A, %dma_start3A_6] : memref<32x64xi32, #tpu.memory_space<hbm>> -> memref<1x64xi32, #tpu.memory_space<hbm>>
    tpu.enqueue_dma source(%dma_start3A_7 : memref<1x64xi32, #tpu.memory_space<hbm>>) target(%arg8 : memref<1x64xi32, #tpu.memory_space<vmem>>) target_semaphore(%arg12 : memref<!tpu.dma_semaphore, #tpu.memory_space<semaphore_mem>>)
    %dma_wait3A = arith.constant 0 : i32
    %dma_wait3A_8 = tpu.memref_slice %arg2[%add3A, %dma_wait3A] : memref<32x64xi32, #tpu.memory_space<hbm>> -> memref<1x64xi32, #tpu.memory_space<hbm>>
    %dma_wait3A_9 = arith.constant 0 : i32
    %dma_wait3A_10 = tpu.memref_slice %arg2[%add3A, %dma_wait3A_9] : memref<32x64xi32, #tpu.memory_space<hbm>> -> memref<1x64xi32, #tpu.memory_space<hbm>>
    tpu.wait_dma2 semaphore(%arg11 : memref<!tpu.dma_semaphore, #tpu.memory_space<semaphore_mem>>) src(%dma_wait3A_10 : memref<1x64xi32, #tpu.memory_space<hbm>>) dst(%arg7 : memref<1x64xi32, #tpu.memory_space<vmem>>)
    %dma_wait3A_11 = arith.constant 0 : i32
    %dma_wait3A_12 = tpu.memref_slice %arg3[%add3A, %dma_wait3A_11] : memref<32x64xi32, #tpu.memory_space<hbm>> -> memref<1x64xi32, #tpu.memory_space<hbm>>
    %dma_wait3A_13 = arith.constant 0 : i32
    %dma_wait3A_14 = tpu.memref_slice %arg3[%add3A, %dma_wait3A_13] : memref<32x64xi32, #tpu.memory_space<hbm>> -> memref<1x64xi32, #tpu.memory_space<hbm>>
    tpu.wait_dma2 semaphore(%arg12 : memref<!tpu.dma_semaphore, #tpu.memory_space<semaphore_mem>>) src(%dma_wait3A_14 : memref<1x64xi32, #tpu.memory_space<hbm>>) dst(%arg8 : memref<1x64xi32, #tpu.memory_space<vmem>>)
    %dma_start3A_15 = arith.constant 0 : i32
    %dma_start3A_16 = arith.constant 0 : i32
    %dma_start3A_17 = tpu.memref_slice %arg7[%dma_start3A_15, %dma_start3A_16] : memref<1x64xi32, #tpu.memory_space<vmem>> -> memref<1x64xi32, #tpu.memory_space<vmem>>
    %dma_start3A_18 = tpu.memref_squeeze %dma_start3A_17 : memref<1x64xi32, #tpu.memory_space<vmem>> -> memref<64xi32, #tpu.memory_space<vmem>>
    %dma_start3A_19 = arith.constant 0 : i32
    %dma_start3A_20 = arith.constant 0 : i32
    %dma_start3A_21 = tpu.memref_slice %arg4[%dma_start3A_19, %dma_start3A_20] : memref<5120x512xi32, #tpu.memory_space<hbm>> -> memref<5120x512xi32, #tpu.memory_space<hbm>>
    tpu.enqueue_indirect_dma source(%dma_start3A_21 : memref<5120x512xi32, #tpu.memory_space<hbm>>) target(%arg9 : memref<64x512xi32, #tpu.memory_space<vmem>>) offsets(%dma_start3A_18 : memref<64xi32, #tpu.memory_space<vmem>>) semaphore(%arg13 : memref<!tpu.dma_semaphore, #tpu.memory_space<semaphore_mem>>)
    %dma_start3A_22 = arith.constant 0 : i32
    %dma_start3A_23 = arith.constant 0 : i32
    %dma_start3A_24 = tpu.memref_slice %arg8[%dma_start3A_22, %dma_start3A_23] : memref<1x64xi32, #tpu.memory_space<vmem>> -> memref<1x64xi32, #tpu.memory_space<vmem>>
    %dma_start3A_25 = tpu.memref_squeeze %dma_start3A_24 : memref<1x64xi32, #tpu.memory_space<vmem>> -> memref<64xi32, #tpu.memory_space<vmem>>
    %dma_start3A_26 = arith.constant 0 : i32
    %dma_start3A_27 = arith.constant 0 : i32
    %dma_start3A_28 = tpu.memref_slice %arg4[%dma_start3A_26, %dma_start3A_27] : memref<5120x512xi32, #tpu.memory_space<hbm>> -> memref<5120x512xi32, #tpu.memory_space<hbm>>
    tpu.enqueue_indirect_dma source(%dma_start3A_28 : memref<5120x512xi32, #tpu.memory_space<hbm>>) target(%arg10 : memref<64x512xi32, #tpu.memory_space<vmem>>) offsets(%dma_start3A_25 : memref<64xi32, #tpu.memory_space<vmem>>) semaphore(%arg14 : memref<!tpu.dma_semaphore, #tpu.memory_space<semaphore_mem>>)
    %dma_wait3A_29 = arith.constant 0 : i32
    %dma_wait3A_30 = arith.constant 0 : i32
    %dma_wait3A_31 = tpu.memref_slice %arg7[%dma_wait3A_29, %dma_wait3A_30] : memref<1x64xi32, #tpu.memory_space<vmem>> -> memref<1x64xi32, #tpu.memory_space<vmem>>
    %dma_wait3A_32 = tpu.memref_squeeze %dma_wait3A_31 : memref<1x64xi32, #tpu.memory_space<vmem>> -> memref<64xi32, #tpu.memory_space<vmem>>
    %dma_wait3A_33 = arith.constant 0 : i32
    %dma_wait3A_34 = arith.constant 0 : i32
    %dma_wait3A_35 = tpu.memref_slice %arg4[%dma_wait3A_33, %dma_wait3A_34] : memref<5120x512xi32, #tpu.memory_space<hbm>> -> memref<5120x512xi32, #tpu.memory_space<hbm>>
    tpu.wait_indirect_dma semaphore(%arg13 : memref<!tpu.dma_semaphore, #tpu.memory_space<semaphore_mem>>) src(%dma_wait3A_35 : memref<5120x512xi32, #tpu.memory_space<hbm>>) dst(%arg9 : memref<64x512xi32, #tpu.memory_space<vmem>>)
    %mul3A_36 = arith.constant 64 : i32
    %mul3A_37 = arith.muli %add3A, %mul3A_36 : i32
    %dma_start3A_38 = arith.constant 0 : i32
    %dma_start3A_39 = tpu.memref_slice %arg5[%mul3A_37, %dma_start3A_38] : memref<2048x512xi32, #tpu.memory_space<hbm>> -> memref<64x512xi32, #tpu.memory_space<hbm>>
    %dma_start3A_40 = arith.constant 0 : i32
    %dma_start3A_41 = tpu.memref_slice %arg5[%mul3A_37, %dma_start3A_40] : memref<2048x512xi32, #tpu.memory_space<hbm>> -> memref<64x512xi32, #tpu.memory_space<hbm>>
    tpu.enqueue_dma source(%arg9 : memref<64x512xi32, #tpu.memory_space<vmem>>) target(%dma_start3A_41 : memref<64x512xi32, #tpu.memory_space<hbm>>) target_semaphore(%arg15 : memref<!tpu.dma_semaphore, #tpu.memory_space<semaphore_mem>>)
    %dma_wait3A_42 = arith.constant 0 : i32
    %dma_wait3A_43 = arith.constant 0 : i32
    %dma_wait3A_44 = tpu.memref_slice %arg8[%dma_wait3A_42, %dma_wait3A_43] : memref<1x64xi32, #tpu.memory_space<vmem>> -> memref<1x64xi32, #tpu.memory_space<vmem>>
    %dma_wait3A_45 = tpu.memref_squeeze %dma_wait3A_44 : memref<1x64xi32, #tpu.memory_space<vmem>> -> memref<64xi32, #tpu.memory_space<vmem>>
    %dma_wait3A_46 = arith.constant 0 : i32
    %dma_wait3A_47 = arith.constant 0 : i32
    %dma_wait3A_48 = tpu.memref_slice %arg4[%dma_wait3A_46, %dma_wait3A_47] : memref<5120x512xi32, #tpu.memory_space<hbm>> -> memref<5120x512xi32, #tpu.memory_space<hbm>>
    tpu.wait_indirect_dma semaphore(%arg14 : memref<!tpu.dma_semaphore, #tpu.memory_space<semaphore_mem>>) src(%dma_wait3A_48 : memref<5120x512xi32, #tpu.memory_space<hbm>>) dst(%arg10 : memref<64x512xi32, #tpu.memory_space<vmem>>)
    %mul3A_49 = arith.constant 64 : i32
    %mul3A_50 = arith.muli %add3A, %mul3A_49 : i32
    %dma_start3A_51 = arith.constant 0 : i32
    %dma_start3A_52 = tpu.memref_slice %arg6[%mul3A_50, %dma_start3A_51] : memref<2048x512xi32, #tpu.memory_space<hbm>> -> memref<64x512xi32, #tpu.memory_space<hbm>>
    %dma_start3A_53 = arith.constant 0 : i32
    %dma_start3A_54 = tpu.memref_slice %arg6[%mul3A_50, %dma_start3A_53] : memref<2048x512xi32, #tpu.memory_space<hbm>> -> memref<64x512xi32, #tpu.memory_space<hbm>>
    tpu.enqueue_dma source(%arg10 : memref<64x512xi32, #tpu.memory_space<vmem>>) target(%dma_start3A_54 : memref<64x512xi32, #tpu.memory_space<hbm>>) target_semaphore(%arg16 : memref<!tpu.dma_semaphore, #tpu.memory_space<semaphore_mem>>)
    %dma_wait3A_55 = arith.constant 0 : i32
    %dma_wait3A_56 = tpu.memref_slice %arg5[%mul3A_37, %dma_wait3A_55] : memref<2048x512xi32, #tpu.memory_space<hbm>> -> memref<64x512xi32, #tpu.memory_space<hbm>>
    %dma_wait3A_57 = arith.constant 0 : i32
    %dma_wait3A_58 = tpu.memref_slice %arg5[%mul3A_37, %dma_wait3A_57] : memref<2048x512xi32, #tpu.memory_space<hbm>> -> memref<64x512xi32, #tpu.memory_space<hbm>>
    tpu.wait_dma2 semaphore(%arg15 : memref<!tpu.dma_semaphore, #tpu.memory_space<semaphore_mem>>) src(%arg9 : memref<64x512xi32, #tpu.memory_space<vmem>>) dst(%dma_wait3A_58 : memref<64x512xi32, #tpu.memory_space<hbm>>)
    %dma_wait3A_59 = arith.constant 0 : i32
    %dma_wait3A_60 = tpu.memref_slice %arg6[%mul3A_50, %dma_wait3A_59] : memref<2048x512xi32, #tpu.memory_space<hbm>> -> memref<64x512xi32, #tpu.memory_space<hbm>>
    %dma_wait3A_61 = arith.constant 0 : i32
    %dma_wait3A_62 = tpu.memref_slice %arg6[%mul3A_50, %dma_wait3A_61] : memref<2048x512xi32, #tpu.memory_space<hbm>> -> memref<64x512xi32, #tpu.memory_space<hbm>>
    tpu.wait_dma2 semaphore(%arg16 : memref<!tpu.dma_semaphore, #tpu.memory_space<semaphore_mem>>) src(%arg10 : memref<64x512xi32, #tpu.memory_space<vmem>>) dst(%dma_wait3A_62 : memref<64x512xi32, #tpu.memory_space<hbm>>)
    return
  }
}

module attributes {stable_mosaic.version = 14 : i64} {
  func.func @_attn_body(%arg0: i32, %arg1: memref<256x1024xf32, #tpu.memory_space<vmem>>, %arg2: memref<1x1024xf32, #tpu.memory_space<vmem>>, %arg3: memref<1x1024xf32, #tpu.memory_space<vmem>>, %arg4: memref<1x1024xf32, #tpu.memory_space<vmem>>, %arg5: memref<1024x1024xf32, #tpu.memory_space<vmem>>, %arg6: memref<1024x128xf32, #tpu.memory_space<vmem>>, %arg7: memref<1024x128xf32, #tpu.memory_space<vmem>>, %arg8: memref<1024x1024xf32, #tpu.memory_space<vmem>>, %arg9: memref<1024x8xf32, #tpu.memory_space<vmem>>, %arg10: memref<256x1024xf32, #tpu.memory_space<vmem>>, %arg11: memref<256x512xi32, #tpu.memory_space<vmem>>, %arg12: memref<256x8xf32, #tpu.memory_space<vmem>>, %arg13: memref<2048x2xi32, #tpu.memory_space<vmem>>, %arg14: memref<2048x2xf32, #tpu.memory_space<vmem>>, %arg15: memref<40x8xf32, #tpu.memory_space<vmem>>, %arg16: memref<2048x8xf32, #tpu.memory_space<vmem>>) attributes {dimension_semantics = [#tpu.dimension_semantics<arbitrary>], iteration_bounds = array<i64: 8>, scalar_prefetch = 0 : i64, scratch_operands = 1 : i64, tpu.core_type = #tpu.core_type<tc>, window_params = [{transform_indices = @transform_0, window_bounds = array<i64: 256, 1024>}, {pipeline_mode = #tpu.pipeline_mode<synchronous>, transform_indices = @transform_1, window_bounds = array<i64: 1, 1024>}, {pipeline_mode = #tpu.pipeline_mode<synchronous>, transform_indices = @transform_2, window_bounds = array<i64: 1, 1024>}, {pipeline_mode = #tpu.pipeline_mode<synchronous>, transform_indices = @transform_3, window_bounds = array<i64: 1, 1024>}, {pipeline_mode = #tpu.pipeline_mode<synchronous>, transform_indices = @transform_4, window_bounds = array<i64: 1024, 1024>}, {pipeline_mode = #tpu.pipeline_mode<synchronous>, transform_indices = @transform_5, window_bounds = array<i64: 1024, 128>}, {pipeline_mode = #tpu.pipeline_mode<synchronous>, transform_indices = @transform_6, window_bounds = array<i64: 1024, 128>}, {pipeline_mode = #tpu.pipeline_mode<synchronous>, transform_indices = @transform_7, window_bounds = array<i64: 1024, 1024>}, {pipeline_mode = #tpu.pipeline_mode<synchronous>, transform_indices = @transform_8, window_bounds = array<i64: 1024, 8>}, {transform_indices = @transform_9, window_bounds = array<i64: 256, 1024>}, {transform_indices = @transform_10, window_bounds = array<i64: 256, 512>}, {transform_indices = @transform_11, window_bounds = array<i64: 256, 8>}, {pipeline_mode = #tpu.pipeline_mode<synchronous>, transform_indices = @transform_12, window_bounds = array<i64: 2048, 2>}, {pipeline_mode = #tpu.pipeline_mode<synchronous>, transform_indices = @transform_13, window_bounds = array<i64: 2048, 2>}, {pipeline_mode = #tpu.pipeline_mode<synchronous>, transform_indices = @transform_14, window_bounds = array<i64: 40, 8>}]} {
    %get3A = arith.constant 0 : index
    %get3A_0 = arith.constant 0 : index
    %get3A_1 = vector.load %arg1[%get3A, %get3A_0] : memref<256x1024xf32, #tpu.memory_space<vmem>>, vector<256x1024xf32>
    %get3A_2 = arith.constant 0 : index
    %get3A_3 = arith.constant 0 : index
    %get3A_4 = vector.load %arg2[%get3A_2, %get3A_3] : memref<1x1024xf32, #tpu.memory_space<vmem>>, vector<1x1024xf32>
    %mul3A = arith.mulf %get3A_1, %get3A_1 : vector<256x1024xf32>
    %reduce_sum3A = arith.constant dense<0.000000e+00> : vector<256xf32>
    %reduce_sum3A_5 = vector.multi_reduction <add>, %mul3A, %reduce_sum3A [1] : vector<256x1024xf32> to vector<256xf32>
    %broadcast_in_dim3A = vector.shape_cast %reduce_sum3A_5 : vector<256xf32> to vector<256x1xf32>
    %div3A = arith.constant 1.024000e+03 : f32
    %div3A_6 = vector.broadcast %div3A : f32 to vector<256x1xf32>
    %div3A_7 = arith.divf %broadcast_in_dim3A, %div3A_6 : vector<256x1xf32>
    %add3A = arith.constant 9.99999974E-6 : f32
    %add3A_8 = vector.broadcast %add3A : f32 to vector<256x1xf32>
    %add3A_9 = arith.addf %div3A_7, %add3A_8 : vector<256x1xf32>
    %rsqrt3A = math.rsqrt %add3A_9 : vector<256x1xf32>
    %mul3A_10 = vector.broadcast %rsqrt3A : vector<256x1xf32> to vector<256x1024xf32>
    %mul3A_11 = arith.mulf %get3A_1, %mul3A_10 : vector<256x1024xf32>
    %mul3A_12 = vector.broadcast %get3A_4 : vector<1x1024xf32> to vector<256x1024xf32>
    %mul3A_13 = arith.mulf %mul3A_11, %mul3A_12 : vector<256x1024xf32>
    %get3A_14 = arith.constant 0 : index
    %get3A_15 = arith.constant 0 : index
    %get3A_16 = vector.load %arg5[%get3A_14, %get3A_15] : memref<1024x1024xf32, #tpu.memory_space<vmem>>, vector<1024x1024xf32>
    %dot_general3A = arith.constant dense<0.000000e+00> : vector<256x1024xf32>
    %dot_general3A_17 = tpu.matmul %mul3A_13, %get3A_16, %dot_general3A {dimension_numbers = #tpu.dot_dimension_numbers<[1], [0], [0], [1], [0, 0, 1, 1], [], []>, transpose_lhs_hint = false} : vector<256x1024xf32>, vector<1024x1024xf32>, vector<256x1024xf32> -> vector<256x1024xf32>
    %get3A_18 = arith.constant 0 : index
    %get3A_19 = arith.constant 0 : index
    %get3A_20 = vector.load %arg6[%get3A_18, %get3A_19] : memref<1024x128xf32, #tpu.memory_space<vmem>>, vector<1024x128xf32>
    %dot_general3A_21 = arith.constant dense<0.000000e+00> : vector<256x128xf32>
    %dot_general3A_22 = tpu.matmul %mul3A_13, %get3A_20, %dot_general3A_21 {dimension_numbers = #tpu.dot_dimension_numbers<[1], [0], [0], [1], [0, 0, 1, 1], [], []>, transpose_lhs_hint = false} : vector<256x1024xf32>, vector<1024x128xf32>, vector<256x128xf32> -> vector<256x128xf32>
    %get3A_23 = arith.constant 0 : index
    %get3A_24 = arith.constant 0 : index
    %get3A_25 = vector.load %arg7[%get3A_23, %get3A_24] : memref<1024x128xf32, #tpu.memory_space<vmem>>, vector<1024x128xf32>
    %dot_general3A_26 = arith.constant dense<0.000000e+00> : vector<256x128xf32>
    %dot_general3A_27 = tpu.matmul %mul3A_13, %get3A_25, %dot_general3A_26 {dimension_numbers = #tpu.dot_dimension_numbers<[1], [0], [0], [1], [0, 0, 1, 1], [], []>, transpose_lhs_hint = false} : vector<256x1024xf32>, vector<1024x128xf32>, vector<256x128xf32> -> vector<256x128xf32>
    %slice3A = vector.extract_strided_slice %dot_general3A_22 {offsets = [0, 0], sizes = [256, 64], strides = [1, 1]} : vector<256x128xf32> to vector<256x64xf32>
    %slice3A_28 = vector.extract_strided_slice %dot_general3A_22 {offsets = [0, 64], sizes = [256, 64], strides = [1, 1]} : vector<256x128xf32> to vector<256x64xf32>
    %slice3A_29 = vector.extract_strided_slice %dot_general3A_27 {offsets = [0, 0], sizes = [256, 64], strides = [1, 1]} : vector<256x128xf32> to vector<256x64xf32>
    %slice3A_30 = vector.extract_strided_slice %dot_general3A_27 {offsets = [0, 64], sizes = [256, 64], strides = [1, 1]} : vector<256x128xf32> to vector<256x64xf32>
    %concatenate3A = tpu.concatenate %slice3A, %slice3A, %slice3A, %slice3A, %slice3A, %slice3A, %slice3A, %slice3A, %slice3A, %slice3A, %slice3A, %slice3A, %slice3A, %slice3A, %slice3A, %slice3A in 1 : vector<256x64xf32>, vector<256x64xf32>, vector<256x64xf32>, vector<256x64xf32>, vector<256x64xf32>, vector<256x64xf32>, vector<256x64xf32>, vector<256x64xf32>, vector<256x64xf32>, vector<256x64xf32>, vector<256x64xf32>, vector<256x64xf32>, vector<256x64xf32>, vector<256x64xf32>, vector<256x64xf32>, vector<256x64xf32> -> vector<256x1024xf32>
    %concatenate3A_31 = tpu.concatenate %slice3A_28, %slice3A_28, %slice3A_28, %slice3A_28, %slice3A_28, %slice3A_28, %slice3A_28, %slice3A_28, %slice3A_28, %slice3A_28, %slice3A_28, %slice3A_28, %slice3A_28, %slice3A_28, %slice3A_28, %slice3A_28 in 1 : vector<256x64xf32>, vector<256x64xf32>, vector<256x64xf32>, vector<256x64xf32>, vector<256x64xf32>, vector<256x64xf32>, vector<256x64xf32>, vector<256x64xf32>, vector<256x64xf32>, vector<256x64xf32>, vector<256x64xf32>, vector<256x64xf32>, vector<256x64xf32>, vector<256x64xf32>, vector<256x64xf32>, vector<256x64xf32> -> vector<256x1024xf32>
    %iota3A = tpu.iota {dimensions = array<i32: 0>} : vector<1024x16xi32>
    %iota3A_32 = tpu.iota {dimensions = array<i32: 1>} : vector<1024x16xi32>
    %jit3A = arith.constant 64 : i32
    %div3A_33 = vector.broadcast %jit3A : i32 to vector<1024x16xi32>
    %div3A_34 = arith.divsi %iota3A, %div3A_33 : vector<1024x16xi32>
    %sign3A = arith.constant 0 : i32
    %sign3A_35 = vector.broadcast %sign3A : i32 to vector<1024x16xi32>
    %sign3A_36 = arith.cmpi sgt, %iota3A, %sign3A_35 : vector<1024x16xi32>
    %sign3A_37 = arith.extui %sign3A_36 : vector<1024x16xi1> to vector<1024x16xi32>
    %sign3A_38 = arith.constant 0 : i32
    %sign3A_39 = vector.broadcast %sign3A_38 : i32 to vector<1024x16xi32>
    %sign3A_40 = arith.cmpi slt, %iota3A, %sign3A_39 : vector<1024x16xi32>
    %sign3A_41 = arith.extui %sign3A_40 : vector<1024x16xi1> to vector<1024x16xi32>
    %sign3A_42 = arith.subi %sign3A_37, %sign3A_41 : vector<1024x16xi32>
    %sign3A_43 = arith.constant 0 : i32
    %sign3A_44 = arith.cmpi sgt, %jit3A, %sign3A_43 : i32
    %sign3A_45 = arith.extui %sign3A_44 : i1 to i32
    %sign3A_46 = arith.constant 0 : i32
    %sign3A_47 = arith.cmpi slt, %jit3A, %sign3A_46 : i32
    %sign3A_48 = arith.extui %sign3A_47 : i1 to i32
    %sign3A_49 = arith.subi %sign3A_45, %sign3A_48 : i32
    %ne3A = vector.broadcast %sign3A_49 : i32 to vector<1024x16xi32>
    %ne3A_50 = arith.cmpi ne, %sign3A_42, %ne3A : vector<1024x16xi32>
    %rem3A = vector.broadcast %jit3A : i32 to vector<1024x16xi32>
    %rem3A_51 = arith.remsi %iota3A, %rem3A : vector<1024x16xi32>
    %ne3A_52 = arith.constant 0 : i32
    %ne3A_53 = vector.broadcast %ne3A_52 : i32 to vector<1024x16xi32>
    %ne3A_54 = arith.cmpi ne, %rem3A_51, %ne3A_53 : vector<1024x16xi32>
    %and3A = arith.andi %ne3A_50, %ne3A_54 : vector<1024x16xi1>
    %sub3A = arith.constant 1 : i32
    %sub3A_55 = vector.broadcast %sub3A : i32 to vector<1024x16xi32>
    %sub3A_56 = arith.subi %div3A_34, %sub3A_55 : vector<1024x16xi32>
    %select_n3A = arith.select %and3A, %sub3A_56, %div3A_34 : vector<1024x16xi1>, vector<1024x16xi32>
    %eq3A = arith.cmpi eq, %select_n3A, %iota3A_32 : vector<1024x16xi32>
    %convert_element_type3A = arith.extui %eq3A : vector<1024x16xi1> to vector<1024x16xi32>
    %convert_element_type3A_57 = arith.sitofp %convert_element_type3A : vector<1024x16xi32> to vector<1024x16xf32>
    %convert_element_type3A_58 = arith.truncf %dot_general3A_17 : vector<256x1024xf32> to vector<256x1024xbf16>
    %convert_element_type3A_59 = arith.extf %convert_element_type3A_58 : vector<256x1024xbf16> to vector<256x1024xf32>
    %convert_element_type3A_60 = arith.truncf %concatenate3A : vector<256x1024xf32> to vector<256x1024xbf16>
    %convert_element_type3A_61 = arith.extf %convert_element_type3A_60 : vector<256x1024xbf16> to vector<256x1024xf32>
    %mul3A_62 = arith.mulf %convert_element_type3A_59, %convert_element_type3A_61 : vector<256x1024xf32>
    %convert_element_type3A_63 = arith.truncf %mul3A_62 : vector<256x1024xf32> to vector<256x1024xbf16>
    %convert_element_type3A_64 = arith.extf %convert_element_type3A_63 : vector<256x1024xbf16> to vector<256x1024xf32>
    %sub3A_65 = arith.subf %mul3A_62, %convert_element_type3A_64 : vector<256x1024xf32>
    %convert_element_type3A_66 = arith.truncf %sub3A_65 : vector<256x1024xf32> to vector<256x1024xbf16>
    %convert_element_type3A_67 = arith.extf %convert_element_type3A_66 : vector<256x1024xbf16> to vector<256x1024xf32>
    %sub3A_68 = arith.subf %sub3A_65, %convert_element_type3A_67 : vector<256x1024xf32>
    %convert_element_type3A_69 = arith.truncf %sub3A_68 : vector<256x1024xf32> to vector<256x1024xbf16>
    %convert_element_type3A_70 = arith.extf %convert_element_type3A_69 : vector<256x1024xbf16> to vector<256x1024xf32>
    %dot_general3A_71 = arith.constant dense<0.000000e+00> : vector<256x16xf32>
    %dot_general3A_72 = tpu.matmul %convert_element_type3A_64, %convert_element_type3A_57, %dot_general3A_71 {dimension_numbers = #tpu.dot_dimension_numbers<[1], [0], [0], [1], [0, 0, 1, 1], [], []>, transpose_lhs_hint = false} : vector<256x1024xf32>, vector<1024x16xf32>, vector<256x16xf32> -> vector<256x16xf32>
    %dot_general3A_73 = arith.constant dense<0.000000e+00> : vector<256x16xf32>
    %dot_general3A_74 = tpu.matmul %convert_element_type3A_67, %convert_element_type3A_57, %dot_general3A_73 {dimension_numbers = #tpu.dot_dimension_numbers<[1], [0], [0], [1], [0, 0, 1, 1], [], []>, transpose_lhs_hint = false} : vector<256x1024xf32>, vector<1024x16xf32>, vector<256x16xf32> -> vector<256x16xf32>
    %add3A_75 = arith.addf %dot_general3A_72, %dot_general3A_74 : vector<256x16xf32>
    %dot_general3A_76 = arith.constant dense<0.000000e+00> : vector<256x16xf32>
    %dot_general3A_77 = tpu.matmul %convert_element_type3A_70, %convert_element_type3A_57, %dot_general3A_76 {dimension_numbers = #tpu.dot_dimension_numbers<[1], [0], [0], [1], [0, 0, 1, 1], [], []>, transpose_lhs_hint = false} : vector<256x1024xf32>, vector<1024x16xf32>, vector<256x16xf32> -> vector<256x16xf32>
    %add3A_78 = arith.addf %add3A_75, %dot_general3A_77 : vector<256x16xf32>
    %mul3A_79 = arith.constant 1.250000e-01 : f32
    %mul3A_80 = vector.broadcast %mul3A_79 : f32 to vector<256x16xf32>
    %mul3A_81 = arith.mulf %add3A_78, %mul3A_80 : vector<256x16xf32>
    %convert_element_type3A_82 = arith.truncf %concatenate3A_31 : vector<256x1024xf32> to vector<256x1024xbf16>
    %convert_element_type3A_83 = arith.extf %convert_element_type3A_82 : vector<256x1024xbf16> to vector<256x1024xf32>
    %mul3A_84 = arith.mulf %convert_element_type3A_59, %convert_element_type3A_83 : vector<256x1024xf32>
    %convert_element_type3A_85 = arith.truncf %mul3A_84 : vector<256x1024xf32> to vector<256x1024xbf16>
    %convert_element_type3A_86 = arith.extf %convert_element_type3A_85 : vector<256x1024xbf16> to vector<256x1024xf32>
    %sub3A_87 = arith.subf %mul3A_84, %convert_element_type3A_86 : vector<256x1024xf32>
    %convert_element_type3A_88 = arith.truncf %sub3A_87 : vector<256x1024xf32> to vector<256x1024xbf16>
    %convert_element_type3A_89 = arith.extf %convert_element_type3A_88 : vector<256x1024xbf16> to vector<256x1024xf32>
    %sub3A_90 = arith.subf %sub3A_87, %convert_element_type3A_89 : vector<256x1024xf32>
    %convert_element_type3A_91 = arith.truncf %sub3A_90 : vector<256x1024xf32> to vector<256x1024xbf16>
    %convert_element_type3A_92 = arith.extf %convert_element_type3A_91 : vector<256x1024xbf16> to vector<256x1024xf32>
    %dot_general3A_93 = arith.constant dense<0.000000e+00> : vector<256x16xf32>
    %dot_general3A_94 = tpu.matmul %convert_element_type3A_86, %convert_element_type3A_57, %dot_general3A_93 {dimension_numbers = #tpu.dot_dimension_numbers<[1], [0], [0], [1], [0, 0, 1, 1], [], []>, transpose_lhs_hint = false} : vector<256x1024xf32>, vector<1024x16xf32>, vector<256x16xf32> -> vector<256x16xf32>
    %dot_general3A_95 = arith.constant dense<0.000000e+00> : vector<256x16xf32>
    %dot_general3A_96 = tpu.matmul %convert_element_type3A_89, %convert_element_type3A_57, %dot_general3A_95 {dimension_numbers = #tpu.dot_dimension_numbers<[1], [0], [0], [1], [0, 0, 1, 1], [], []>, transpose_lhs_hint = false} : vector<256x1024xf32>, vector<1024x16xf32>, vector<256x16xf32> -> vector<256x16xf32>
    %add3A_97 = arith.addf %dot_general3A_94, %dot_general3A_96 : vector<256x16xf32>
    %dot_general3A_98 = arith.constant dense<0.000000e+00> : vector<256x16xf32>
    %dot_general3A_99 = tpu.matmul %convert_element_type3A_92, %convert_element_type3A_57, %dot_general3A_98 {dimension_numbers = #tpu.dot_dimension_numbers<[1], [0], [0], [1], [0, 0, 1, 1], [], []>, transpose_lhs_hint = false} : vector<256x1024xf32>, vector<1024x16xf32>, vector<256x16xf32> -> vector<256x16xf32>
    %add3A_100 = arith.addf %add3A_97, %dot_general3A_99 : vector<256x16xf32>
    %mul3A_101 = arith.constant 1.250000e-01 : f32
    %mul3A_102 = vector.broadcast %mul3A_101 : f32 to vector<256x16xf32>
    %mul3A_103 = arith.mulf %add3A_100, %mul3A_102 : vector<256x16xf32>
    %max3A = arith.maximumf %mul3A_81, %mul3A_103 : vector<256x16xf32>
    %iota3A_104 = tpu.iota {dimensions = array<i32: 1>} : vector<256x16xi32>
    %add3A_105 = arith.constant 1 : i32
    %add3A_106 = vector.broadcast %add3A_105 : i32 to vector<256x16xi32>
    %add3A_107 = arith.addi %iota3A_104, %add3A_106 : vector<256x16xi32>
    %min3A = arith.constant 8 : i32
    %min3A_108 = vector.broadcast %min3A : i32 to vector<256x16xi32>
    %min3A_109 = arith.minsi %add3A_107, %min3A_108 : vector<256x16xi32>
    %convert_element_type3A_110 = arith.sitofp %min3A_109 : vector<256x16xi32> to vector<256x16xf32>
    %sub3A_111 = arith.constant 7 : i32
    %sub3A_112 = vector.broadcast %sub3A_111 : i32 to vector<256x16xi32>
    %sub3A_113 = arith.subi %iota3A_104, %sub3A_112 : vector<256x16xi32>
    %max3A_114 = arith.constant 0 : i32
    %max3A_115 = vector.broadcast %max3A_114 : i32 to vector<256x16xi32>
    %max3A_116 = arith.maxsi %sub3A_113, %max3A_115 : vector<256x16xi32>
    %convert_element_type3A_117 = arith.sitofp %max3A_116 : vector<256x16xi32> to vector<256x16xf32>
    %sub3A_118 = arith.subf %mul3A_81, %max3A : vector<256x16xf32>
    %exp3A = math.exp %sub3A_118 : vector<256x16xf32>
    %sub3A_119 = arith.subf %mul3A_103, %max3A : vector<256x16xf32>
    %exp3A_120 = math.exp %sub3A_119 : vector<256x16xf32>
    %mul3A_121 = arith.mulf %convert_element_type3A_110, %exp3A : vector<256x16xf32>
    %mul3A_122 = arith.mulf %convert_element_type3A_117, %exp3A_120 : vector<256x16xf32>
    %add3A_123 = arith.addf %mul3A_121, %mul3A_122 : vector<256x16xf32>
    %div3A_124 = arith.divf %exp3A, %add3A_123 : vector<256x16xf32>
    %div3A_125 = arith.divf %exp3A_120, %add3A_123 : vector<256x16xf32>
    %iota3A_126 = tpu.iota {dimensions = array<i32: 0>} : vector<16x1024xi32>
    %iota3A_127 = tpu.iota {dimensions = array<i32: 1>} : vector<16x1024xi32>
    %jit3A_128 = arith.constant 64 : i32
    %div3A_129 = vector.broadcast %jit3A_128 : i32 to vector<16x1024xi32>
    %div3A_130 = arith.divsi %iota3A_127, %div3A_129 : vector<16x1024xi32>
    %sign3A_131 = arith.constant 0 : i32
    %sign3A_132 = vector.broadcast %sign3A_131 : i32 to vector<16x1024xi32>
    %sign3A_133 = arith.cmpi sgt, %iota3A_127, %sign3A_132 : vector<16x1024xi32>
    %sign3A_134 = arith.extui %sign3A_133 : vector<16x1024xi1> to vector<16x1024xi32>
    %sign3A_135 = arith.constant 0 : i32
    %sign3A_136 = vector.broadcast %sign3A_135 : i32 to vector<16x1024xi32>
    %sign3A_137 = arith.cmpi slt, %iota3A_127, %sign3A_136 : vector<16x1024xi32>
    %sign3A_138 = arith.extui %sign3A_137 : vector<16x1024xi1> to vector<16x1024xi32>
    %sign3A_139 = arith.subi %sign3A_134, %sign3A_138 : vector<16x1024xi32>
    %sign3A_140 = arith.constant 0 : i32
    %sign3A_141 = arith.cmpi sgt, %jit3A_128, %sign3A_140 : i32
    %sign3A_142 = arith.extui %sign3A_141 : i1 to i32
    %sign3A_143 = arith.constant 0 : i32
    %sign3A_144 = arith.cmpi slt, %jit3A_128, %sign3A_143 : i32
    %sign3A_145 = arith.extui %sign3A_144 : i1 to i32
    %sign3A_146 = arith.subi %sign3A_142, %sign3A_145 : i32
    %ne3A_147 = vector.broadcast %sign3A_146 : i32 to vector<16x1024xi32>
    %ne3A_148 = arith.cmpi ne, %sign3A_139, %ne3A_147 : vector<16x1024xi32>
    %rem3A_149 = vector.broadcast %jit3A_128 : i32 to vector<16x1024xi32>
    %rem3A_150 = arith.remsi %iota3A_127, %rem3A_149 : vector<16x1024xi32>
    %ne3A_151 = arith.constant 0 : i32
    %ne3A_152 = vector.broadcast %ne3A_151 : i32 to vector<16x1024xi32>
    %ne3A_153 = arith.cmpi ne, %rem3A_150, %ne3A_152 : vector<16x1024xi32>
    %and3A_154 = arith.andi %ne3A_148, %ne3A_153 : vector<16x1024xi1>
    %sub3A_155 = arith.constant 1 : i32
    %sub3A_156 = vector.broadcast %sub3A_155 : i32 to vector<16x1024xi32>
    %sub3A_157 = arith.subi %div3A_130, %sub3A_156 : vector<16x1024xi32>
    %select_n3A_158 = arith.select %and3A_154, %sub3A_157, %div3A_130 : vector<16x1024xi1>, vector<16x1024xi32>
    %eq3A_159 = arith.cmpi eq, %select_n3A_158, %iota3A_126 : vector<16x1024xi32>
    %convert_element_type3A_160 = arith.extui %eq3A_159 : vector<16x1024xi1> to vector<16x1024xi32>
    %convert_element_type3A_161 = arith.sitofp %convert_element_type3A_160 : vector<16x1024xi32> to vector<16x1024xf32>
    %convert_element_type3A_162 = arith.truncf %div3A_124 : vector<256x16xf32> to vector<256x16xbf16>
    %convert_element_type3A_163 = arith.extf %convert_element_type3A_162 : vector<256x16xbf16> to vector<256x16xf32>
    %dot_general3A_164 = arith.constant dense<0.000000e+00> : vector<256x1024xf32>
    %dot_general3A_165 = tpu.matmul %convert_element_type3A_163, %convert_element_type3A_161, %dot_general3A_164 {dimension_numbers = #tpu.dot_dimension_numbers<[1], [0], [0], [1], [0, 0, 1, 1], [], []>, transpose_lhs_hint = false} : vector<256x16xf32>, vector<16x1024xf32>, vector<256x1024xf32> -> vector<256x1024xf32>
    %convert_element_type3A_166 = arith.truncf %div3A_125 : vector<256x16xf32> to vector<256x16xbf16>
    %convert_element_type3A_167 = arith.extf %convert_element_type3A_166 : vector<256x16xbf16> to vector<256x16xf32>
    %dot_general3A_168 = arith.constant dense<0.000000e+00> : vector<256x1024xf32>
    %dot_general3A_169 = tpu.matmul %convert_element_type3A_167, %convert_element_type3A_161, %dot_general3A_168 {dimension_numbers = #tpu.dot_dimension_numbers<[1], [0], [0], [1], [0, 0, 1, 1], [], []>, transpose_lhs_hint = false} : vector<256x16xf32>, vector<16x1024xf32>, vector<256x1024xf32> -> vector<256x1024xf32>
    %concatenate3A_170 = tpu.concatenate %slice3A_29, %slice3A_29, %slice3A_29, %slice3A_29, %slice3A_29, %slice3A_29, %slice3A_29, %slice3A_29, %slice3A_29, %slice3A_29, %slice3A_29, %slice3A_29, %slice3A_29, %slice3A_29, %slice3A_29, %slice3A_29 in 1 : vector<256x64xf32>, vector<256x64xf32>, vector<256x64xf32>, vector<256x64xf32>, vector<256x64xf32>, vector<256x64xf32>, vector<256x64xf32>, vector<256x64xf32>, vector<256x64xf32>, vector<256x64xf32>, vector<256x64xf32>, vector<256x64xf32>, vector<256x64xf32>, vector<256x64xf32>, vector<256x64xf32>, vector<256x64xf32> -> vector<256x1024xf32>
    %convert_element_type3A_171 = arith.truncf %concatenate3A_170 : vector<256x1024xf32> to vector<256x1024xbf16>
    %convert_element_type3A_172 = arith.extf %convert_element_type3A_171 : vector<256x1024xbf16> to vector<256x1024xf32>
    %concatenate3A_173 = tpu.concatenate %slice3A_30, %slice3A_30, %slice3A_30, %slice3A_30, %slice3A_30, %slice3A_30, %slice3A_30, %slice3A_30, %slice3A_30, %slice3A_30, %slice3A_30, %slice3A_30, %slice3A_30, %slice3A_30, %slice3A_30, %slice3A_30 in 1 : vector<256x64xf32>, vector<256x64xf32>, vector<256x64xf32>, vector<256x64xf32>, vector<256x64xf32>, vector<256x64xf32>, vector<256x64xf32>, vector<256x64xf32>, vector<256x64xf32>, vector<256x64xf32>, vector<256x64xf32>, vector<256x64xf32>, vector<256x64xf32>, vector<256x64xf32>, vector<256x64xf32>, vector<256x64xf32> -> vector<256x1024xf32>
    %convert_element_type3A_174 = arith.truncf %concatenate3A_173 : vector<256x1024xf32> to vector<256x1024xbf16>
    %convert_element_type3A_175 = arith.extf %convert_element_type3A_174 : vector<256x1024xbf16> to vector<256x1024xf32>
    %iota3A_176 = tpu.iota {dimensions = array<i32: 1>} : vector<256x1024xi32>
    %jit3A_177 = arith.constant 64 : i32
    %div3A_178 = vector.broadcast %jit3A_177 : i32 to vector<256x1024xi32>
    %div3A_179 = arith.divsi %iota3A_176, %div3A_178 : vector<256x1024xi32>
    %sign3A_180 = arith.constant 0 : i32
    %sign3A_181 = vector.broadcast %sign3A_180 : i32 to vector<256x1024xi32>
    %sign3A_182 = arith.cmpi sgt, %iota3A_176, %sign3A_181 : vector<256x1024xi32>
    %sign3A_183 = arith.extui %sign3A_182 : vector<256x1024xi1> to vector<256x1024xi32>
    %sign3A_184 = arith.constant 0 : i32
    %sign3A_185 = vector.broadcast %sign3A_184 : i32 to vector<256x1024xi32>
    %sign3A_186 = arith.cmpi slt, %iota3A_176, %sign3A_185 : vector<256x1024xi32>
    %sign3A_187 = arith.extui %sign3A_186 : vector<256x1024xi1> to vector<256x1024xi32>
    %sign3A_188 = arith.subi %sign3A_183, %sign3A_187 : vector<256x1024xi32>
    %sign3A_189 = arith.constant 0 : i32
    %sign3A_190 = arith.cmpi sgt, %jit3A_177, %sign3A_189 : i32
    %sign3A_191 = arith.extui %sign3A_190 : i1 to i32
    %sign3A_192 = arith.constant 0 : i32
    %sign3A_193 = arith.cmpi slt, %jit3A_177, %sign3A_192 : i32
    %sign3A_194 = arith.extui %sign3A_193 : i1 to i32
    %sign3A_195 = arith.subi %sign3A_191, %sign3A_194 : i32
    %ne3A_196 = vector.broadcast %sign3A_195 : i32 to vector<256x1024xi32>
    %ne3A_197 = arith.cmpi ne, %sign3A_188, %ne3A_196 : vector<256x1024xi32>
    %rem3A_198 = vector.broadcast %jit3A_177 : i32 to vector<256x1024xi32>
    %rem3A_199 = arith.remsi %iota3A_176, %rem3A_198 : vector<256x1024xi32>
    %ne3A_200 = arith.constant 0 : i32
    %ne3A_201 = vector.broadcast %ne3A_200 : i32 to vector<256x1024xi32>
    %ne3A_202 = arith.cmpi ne, %rem3A_199, %ne3A_201 : vector<256x1024xi32>
    %and3A_203 = arith.andi %ne3A_197, %ne3A_202 : vector<256x1024xi1>
    %sub3A_204 = arith.constant 1 : i32
    %sub3A_205 = vector.broadcast %sub3A_204 : i32 to vector<256x1024xi32>
    %sub3A_206 = arith.subi %div3A_179, %sub3A_205 : vector<256x1024xi32>
    %select_n3A_207 = arith.select %and3A_203, %sub3A_206, %div3A_179 : vector<256x1024xi1>, vector<256x1024xi32>
    %add3A_208 = arith.constant 1 : i32
    %add3A_209 = vector.broadcast %add3A_208 : i32 to vector<256x1024xi32>
    %add3A_210 = arith.addi %select_n3A_207, %add3A_209 : vector<256x1024xi32>
    %min3A_211 = arith.constant 8 : i32
    %min3A_212 = vector.broadcast %min3A_211 : i32 to vector<256x1024xi32>
    %min3A_213 = arith.minsi %add3A_210, %min3A_212 : vector<256x1024xi32>
    %convert_element_type3A_214 = arith.sitofp %min3A_213 : vector<256x1024xi32> to vector<256x1024xf32>
    %sub3A_215 = arith.constant 7 : i32
    %sub3A_216 = vector.broadcast %sub3A_215 : i32 to vector<256x1024xi32>
    %sub3A_217 = arith.subi %select_n3A_207, %sub3A_216 : vector<256x1024xi32>
    %max3A_218 = arith.constant 0 : i32
    %max3A_219 = vector.broadcast %max3A_218 : i32 to vector<256x1024xi32>
    %max3A_220 = arith.maxsi %sub3A_217, %max3A_219 : vector<256x1024xi32>
    %convert_element_type3A_221 = arith.sitofp %max3A_220 : vector<256x1024xi32> to vector<256x1024xf32>
    %mul3A_222 = arith.mulf %dot_general3A_165, %convert_element_type3A_172 : vector<256x1024xf32>
    %mul3A_223 = arith.mulf %convert_element_type3A_214, %mul3A_222 : vector<256x1024xf32>
    %mul3A_224 = arith.mulf %dot_general3A_169, %convert_element_type3A_175 : vector<256x1024xf32>
    %mul3A_225 = arith.mulf %convert_element_type3A_221, %mul3A_224 : vector<256x1024xf32>
    %add3A_226 = arith.addf %mul3A_223, %mul3A_225 : vector<256x1024xf32>
    %get3A_227 = arith.constant 0 : index
    %get3A_228 = arith.constant 0 : index
    %get3A_229 = vector.load %arg8[%get3A_227, %get3A_228] : memref<1024x1024xf32, #tpu.memory_space<vmem>>, vector<1024x1024xf32>
    %dot_general3A_230 = arith.constant dense<0.000000e+00> : vector<256x1024xf32>
    %dot_general3A_231 = tpu.matmul %add3A_226, %get3A_229, %dot_general3A_230 {dimension_numbers = #tpu.dot_dimension_numbers<[1], [0], [0], [1], [0, 0, 1, 1], [], []>, transpose_lhs_hint = false} : vector<256x1024xf32>, vector<1024x1024xf32>, vector<256x1024xf32> -> vector<256x1024xf32>
    %get3A_232 = arith.constant 0 : index
    %get3A_233 = arith.constant 0 : index
    %get3A_234 = vector.load %arg3[%get3A_232, %get3A_233] : memref<1x1024xf32, #tpu.memory_space<vmem>>, vector<1x1024xf32>
    %mul3A_235 = arith.mulf %dot_general3A_231, %dot_general3A_231 : vector<256x1024xf32>
    %reduce_sum3A_236 = arith.constant dense<0.000000e+00> : vector<256xf32>
    %reduce_sum3A_237 = vector.multi_reduction <add>, %mul3A_235, %reduce_sum3A_236 [1] : vector<256x1024xf32> to vector<256xf32>
    %broadcast_in_dim3A_238 = vector.shape_cast %reduce_sum3A_237 : vector<256xf32> to vector<256x1xf32>
    %div3A_239 = arith.constant 1.024000e+03 : f32
    %div3A_240 = vector.broadcast %div3A_239 : f32 to vector<256x1xf32>
    %div3A_241 = arith.divf %broadcast_in_dim3A_238, %div3A_240 : vector<256x1xf32>
    %add3A_242 = arith.constant 9.99999974E-6 : f32
    %add3A_243 = vector.broadcast %add3A_242 : f32 to vector<256x1xf32>
    %add3A_244 = arith.addf %div3A_241, %add3A_243 : vector<256x1xf32>
    %rsqrt3A_245 = math.rsqrt %add3A_244 : vector<256x1xf32>
    %mul3A_246 = vector.broadcast %rsqrt3A_245 : vector<256x1xf32> to vector<256x1024xf32>
    %mul3A_247 = arith.mulf %dot_general3A_231, %mul3A_246 : vector<256x1024xf32>
    %mul3A_248 = vector.broadcast %get3A_234 : vector<1x1024xf32> to vector<256x1024xf32>
    %mul3A_249 = arith.mulf %mul3A_247, %mul3A_248 : vector<256x1024xf32>
    %add3A_250 = arith.addf %get3A_1, %mul3A_249 : vector<256x1024xf32>
    %swap3A = arith.constant 0 : index
    %swap3A_251 = arith.constant 0 : index
    %swap3A_252 = vector.load %arg10[%swap3A, %swap3A_251] : memref<256x1024xf32, #tpu.memory_space<vmem>>, vector<256x1024xf32>
    tpu.vector_store %arg10[%swap3A, %swap3A_251], %add3A_250 {strides = array<i32>} : memref<256x1024xf32, #tpu.memory_space<vmem>>, vector<256x1024xf32>,
    %get3A_253 = arith.constant 0 : index
    %get3A_254 = arith.constant 0 : index
    %get3A_255 = vector.load %arg4[%get3A_253, %get3A_254] : memref<1x1024xf32, #tpu.memory_space<vmem>>, vector<1x1024xf32>
    %mul3A_256 = arith.mulf %add3A_250, %add3A_250 : vector<256x1024xf32>
    %reduce_sum3A_257 = arith.constant dense<0.000000e+00> : vector<256xf32>
    %reduce_sum3A_258 = vector.multi_reduction <add>, %mul3A_256, %reduce_sum3A_257 [1] : vector<256x1024xf32> to vector<256xf32>
    %broadcast_in_dim3A_259 = vector.shape_cast %reduce_sum3A_258 : vector<256xf32> to vector<256x1xf32>
    %div3A_260 = arith.constant 1.024000e+03 : f32
    %div3A_261 = vector.broadcast %div3A_260 : f32 to vector<256x1xf32>
    %div3A_262 = arith.divf %broadcast_in_dim3A_259, %div3A_261 : vector<256x1xf32>
    %add3A_263 = arith.constant 9.99999974E-6 : f32
    %add3A_264 = vector.broadcast %add3A_263 : f32 to vector<256x1xf32>
    %add3A_265 = arith.addf %div3A_262, %add3A_264 : vector<256x1xf32>
    %rsqrt3A_266 = math.rsqrt %add3A_265 : vector<256x1xf32>
    %mul3A_267 = vector.broadcast %rsqrt3A_266 : vector<256x1xf32> to vector<256x1024xf32>
    %mul3A_268 = arith.mulf %add3A_250, %mul3A_267 : vector<256x1024xf32>
    %mul3A_269 = vector.broadcast %get3A_255 : vector<1x1024xf32> to vector<256x1024xf32>
    %mul3A_270 = arith.mulf %mul3A_268, %mul3A_269 : vector<256x1024xf32>
    %slice3A_271 = vector.extract_strided_slice %mul3A_270 {offsets = [0, 0], sizes = [256, 512], strides = [1, 1]} : vector<256x1024xf32> to vector<256x512xf32>
    %convert_element_type3A_272 = arith.truncf %slice3A_271 : vector<256x512xf32> to vector<256x512xbf16>
    %convert_element_type3A_273 = arith.extf %convert_element_type3A_272 : vector<256x512xbf16> to vector<256x512xf32>
    %bitcast_convert_type3A = tpu.bitcast %convert_element_type3A_273 : vector<256x512xf32> -> vector<256x512xi32>
    %slice3A_274 = vector.extract_strided_slice %mul3A_270 {offsets = [0, 512], sizes = [256, 512], strides = [1, 1]} : vector<256x1024xf32> to vector<256x512xf32>
    %convert_element_type3A_275 = arith.truncf %slice3A_274 : vector<256x512xf32> to vector<256x512xbf16>
    %convert_element_type3A_276 = arith.extf %convert_element_type3A_275 : vector<256x512xbf16> to vector<256x512xf32>
    %bitcast_convert_type3A_277 = tpu.bitcast %convert_element_type3A_276 : vector<256x512xf32> -> vector<256x512xi32>
    %shift_right_logical3A = arith.constant 16 : i32
    %shift_right_logical3A_278 = vector.broadcast %shift_right_logical3A : i32 to vector<256x512xi32>
    %shift_right_logical3A_279 = arith.shrui %bitcast_convert_type3A, %shift_right_logical3A_278 : vector<256x512xi32>
    %or3A = arith.ori %shift_right_logical3A_279, %bitcast_convert_type3A_277 : vector<256x512xi32>
    %swap3A_280 = arith.constant 0 : index
    %swap3A_281 = arith.constant 0 : index
    %swap3A_282 = vector.load %arg11[%swap3A_280, %swap3A_281] : memref<256x512xi32, #tpu.memory_space<vmem>>, vector<256x512xi32>
    tpu.vector_store %arg11[%swap3A_280, %swap3A_281], %or3A {strides = array<i32>} : memref<256x512xi32, #tpu.memory_space<vmem>>, vector<256x512xi32>,
    %get3A_283 = arith.constant 0 : index
    %get3A_284 = arith.constant 0 : index
    %get3A_285 = vector.load %arg9[%get3A_283, %get3A_284] : memref<1024x8xf32, #tpu.memory_space<vmem>>, vector<1024x8xf32>
    %dot_general3A_286 = arith.constant dense<0.000000e+00> : vector<256x8xf32>
    %dot_general3A_287 = tpu.matmul %mul3A_270, %get3A_285, %dot_general3A_286 {dimension_numbers = #tpu.dot_dimension_numbers<[1], [0], [0], [1], [0, 0, 1, 1], [], []>, transpose_lhs_hint = false} : vector<256x1024xf32>, vector<1024x8xf32>, vector<256x8xf32> -> vector<256x8xf32>
    %reduce_max3A = arith.constant dense<0xFF800000> : vector<256xf32>
    %reduce_max3A_288 = vector.multi_reduction <maximumf>, %dot_general3A_287, %reduce_max3A [1] : vector<256x8xf32> to vector<256xf32>
    %broadcast_in_dim3A_289 = vector.shape_cast %reduce_max3A_288 : vector<256xf32> to vector<256x1xf32>
    %sub3A_290 = vector.broadcast %broadcast_in_dim3A_289 : vector<256x1xf32> to vector<256x8xf32>
    %sub3A_291 = arith.subf %dot_general3A_287, %sub3A_290 : vector<256x8xf32>
    %exp3A_292 = math.exp %sub3A_291 : vector<256x8xf32>
    %reduce_sum3A_293 = arith.constant dense<0.000000e+00> : vector<256xf32>
    %reduce_sum3A_294 = vector.multi_reduction <add>, %exp3A_292, %reduce_sum3A_293 [1] : vector<256x8xf32> to vector<256xf32>
    %broadcast_in_dim3A_295 = vector.shape_cast %reduce_sum3A_294 : vector<256xf32> to vector<256x1xf32>
    %div3A_296 = vector.broadcast %broadcast_in_dim3A_295 : vector<256x1xf32> to vector<256x8xf32>
    %div3A_297 = arith.divf %exp3A_292, %div3A_296 : vector<256x8xf32>
    %iota3A_298 = tpu.iota {dimensions = array<i32: 1>} : vector<256x8xi32>
    %reduce_max3A_299 = arith.constant dense<0xFF800000> : vector<256xf32>
    %reduce_max3A_300 = vector.multi_reduction <maximumf>, %div3A_297, %reduce_max3A_299 [1] : vector<256x8xf32> to vector<256xf32>
    %broadcast_in_dim3A_301 = vector.shape_cast %reduce_max3A_300 : vector<256xf32> to vector<256x1xf32>
    %eq3A_302 = vector.broadcast %broadcast_in_dim3A_301 : vector<256x1xf32> to vector<256x8xf32>
    %eq3A_303 = arith.cmpf oeq, %div3A_297, %eq3A_302 : vector<256x8xf32>
    %jit3A_304 = arith.constant 8 : i32
    %broadcast_in_dim3A_305 = vector.broadcast %jit3A_304 : i32 to vector<256x8xi32>
    %select_n3A_306 = arith.select %eq3A_303, %iota3A_298, %broadcast_in_dim3A_305 : vector<256x8xi1>, vector<256x8xi32>
    %reduce_min3A = arith.constant dense<2147483647> : vector<256xi32>
    %reduce_min3A_307 = vector.multi_reduction <minsi>, %select_n3A_306, %reduce_min3A [1] : vector<256x8xi32> to vector<256xi32>
    %broadcast_in_dim3A_308 = vector.shape_cast %reduce_min3A_307 : vector<256xi32> to vector<256x1xi32>
    %eq3A_309 = vector.broadcast %broadcast_in_dim3A_308 : vector<256x1xi32> to vector<256x8xi32>
    %eq3A_310 = arith.cmpi eq, %iota3A_298, %eq3A_309 : vector<256x8xi32>
    %jit3A_311 = arith.constant -1.000000e+00 : f32
    %broadcast_in_dim3A_312 = vector.broadcast %jit3A_311 : f32 to vector<256x8xf32>
    %select_n3A_313 = arith.select %eq3A_310, %broadcast_in_dim3A_312, %div3A_297 : vector<256x8xi1>, vector<256x8xf32>
    %reduce_max3A_314 = arith.constant dense<0xFF800000> : vector<256xf32>
    %reduce_max3A_315 = vector.multi_reduction <maximumf>, %select_n3A_313, %reduce_max3A_314 [1] : vector<256x8xf32> to vector<256xf32>
    %broadcast_in_dim3A_316 = vector.shape_cast %reduce_max3A_315 : vector<256xf32> to vector<256x1xf32>
    %eq3A_317 = vector.broadcast %broadcast_in_dim3A_316 : vector<256x1xf32> to vector<256x8xf32>
    %eq3A_318 = arith.cmpf oeq, %select_n3A_313, %eq3A_317 : vector<256x8xf32>
    %jit3A_319 = arith.constant 8 : i32
    %broadcast_in_dim3A_320 = vector.broadcast %jit3A_319 : i32 to vector<256x8xi32>
    %select_n3A_321 = arith.select %eq3A_318, %iota3A_298, %broadcast_in_dim3A_320 : vector<256x8xi1>, vector<256x8xi32>
    %reduce_min3A_322 = arith.constant dense<2147483647> : vector<256xi32>
    %reduce_min3A_323 = vector.multi_reduction <minsi>, %select_n3A_321, %reduce_min3A_322 [1] : vector<256x8xi32> to vector<256xi32>
    %broadcast_in_dim3A_324 = vector.shape_cast %reduce_min3A_323 : vector<256xi32> to vector<256x1xi32>
    %add3A_325 = arith.addf %broadcast_in_dim3A_301, %broadcast_in_dim3A_316 : vector<256x1xf32>
    %div3A_326 = arith.divf %broadcast_in_dim3A_301, %add3A_325 : vector<256x1xf32>
    %add3A_327 = arith.addf %broadcast_in_dim3A_301, %broadcast_in_dim3A_316 : vector<256x1xf32>
    %div3A_328 = arith.divf %broadcast_in_dim3A_316, %add3A_327 : vector<256x1xf32>
    %eq3A_329 = vector.broadcast %broadcast_in_dim3A_308 : vector<256x1xi32> to vector<256x8xi32>
    %eq3A_330 = arith.cmpi eq, %iota3A_298, %eq3A_329 : vector<256x8xi32>
    %jit3A_331 = arith.constant 0.000000e+00 : f32
    %broadcast_in_dim3A_332 = vector.shape_cast %div3A_326 : vector<256x1xf32> to vector<256x1xf32>
    %broadcast_in_dim3A_333 = vector.broadcast %broadcast_in_dim3A_332 : vector<256x1xf32> to vector<256x8xf32>
    %broadcast_in_dim3A_334 = vector.broadcast %jit3A_331 : f32 to vector<256x8xf32>
    %select_n3A_335 = arith.select %eq3A_330, %broadcast_in_dim3A_333, %broadcast_in_dim3A_334 : vector<256x8xi1>, vector<256x8xf32>
    %eq3A_336 = vector.broadcast %broadcast_in_dim3A_324 : vector<256x1xi32> to vector<256x8xi32>
    %eq3A_337 = arith.cmpi eq, %iota3A_298, %eq3A_336 : vector<256x8xi32>
    %jit3A_338 = arith.constant 0.000000e+00 : f32
    %broadcast_in_dim3A_339 = vector.shape_cast %div3A_328 : vector<256x1xf32> to vector<256x1xf32>
    %broadcast_in_dim3A_340 = vector.broadcast %broadcast_in_dim3A_339 : vector<256x1xf32> to vector<256x8xf32>
    %broadcast_in_dim3A_341 = vector.broadcast %jit3A_338 : f32 to vector<256x8xf32>
    %select_n3A_342 = arith.select %eq3A_337, %broadcast_in_dim3A_340, %broadcast_in_dim3A_341 : vector<256x8xi1>, vector<256x8xf32>
    %add3A_343 = arith.addf %select_n3A_335, %select_n3A_342 : vector<256x8xf32>
    %mul3A_344 = arith.constant 256 : i32
    %mul3A_345 = arith.muli %arg0, %mul3A_344 : i32
    %swap3A_346 = arith.index_cast %mul3A_345 : i32 to index
    %swap3A_347 = arith.constant 0 : index
    %swap3A_348 = vector.load %arg16[%swap3A_346, %swap3A_347] : memref<2048x8xf32, #tpu.memory_space<vmem>>, vector<256x8xf32>
    tpu.vector_store %arg16[%swap3A_346, %swap3A_347], %add3A_343 {strides = array<i32>} : memref<2048x8xf32, #tpu.memory_space<vmem>>, vector<256x8xf32>,
    %gt3A = arith.constant 0.000000e+00 : f32
    %gt3A_349 = vector.broadcast %gt3A : f32 to vector<256x8xf32>
    %gt3A_350 = arith.cmpf ogt, %add3A_343, %gt3A_349 : vector<256x8xf32>
    %convert_element_type3A_351 = arith.extui %gt3A_350 : vector<256x8xi1> to vector<256x8xi32>
    %convert_element_type3A_352 = arith.sitofp %convert_element_type3A_351 : vector<256x8xi32> to vector<256x8xf32>
    %swap3A_353 = arith.constant 0 : index
    %swap3A_354 = arith.constant 0 : index
    %swap3A_355 = vector.load %arg12[%swap3A_353, %swap3A_354] : memref<256x8xf32, #tpu.memory_space<vmem>>, vector<256x8xf32>
    tpu.vector_store %arg12[%swap3A_353, %swap3A_354], %convert_element_type3A_352 {strides = array<i32>} : memref<256x8xf32, #tpu.memory_space<vmem>>, vector<256x8xf32>,
    %eq3A_356 = arith.constant 7 : i32
    %eq3A_357 = arith.cmpi eq, %arg0, %eq3A_356 : i32
    %convert_element_type3A_358 = arith.extui %eq3A_357 : i1 to i32
    %cond3A = arith.constant 0 : i32
    %cond3A_359 = arith.cmpi ne, %convert_element_type3A_358, %cond3A : i32
    scf.if %cond3A_359 {
      %get3A_360 = arith.constant 0 : index
      %get3A_361 = arith.constant 0 : index
      %get3A_362 = vector.load %arg16[%get3A_360, %get3A_361] : memref<2048x8xf32, #tpu.memory_space<vmem>>, vector<2048x8xf32>
      %gt3A_363 = arith.constant 0.000000e+00 : f32
      %gt3A_364 = vector.broadcast %gt3A_363 : f32 to vector<2048x8xf32>
      %gt3A_365 = arith.cmpf ogt, %get3A_362, %gt3A_364 : vector<2048x8xf32>
      %convert_element_type3A_366 = arith.extui %gt3A_365 : vector<2048x8xi1> to vector<2048x8xi32>
      %convert_element_type3A_367 = arith.sitofp %convert_element_type3A_366 : vector<2048x8xi32> to vector<2048x8xf32>
      %iota3A_368 = tpu.iota {dimensions = array<i32: 0>} : vector<2048x2048xi32>
      %iota3A_369 = tpu.iota {dimensions = array<i32: 1>} : vector<2048x2048xi32>
      %lt3A = arith.cmpi slt, %iota3A_369, %iota3A_368 : vector<2048x2048xi32>
      %convert_element_type3A_370 = arith.extui %lt3A : vector<2048x2048xi1> to vector<2048x2048xi32>
      %convert_element_type3A_371 = arith.sitofp %convert_element_type3A_370 : vector<2048x2048xi32> to vector<2048x2048xf32>
      %dot_general3A_372 = arith.constant dense<0.000000e+00> : vector<2048x8xf32>
      %dot_general3A_373 = tpu.matmul %convert_element_type3A_371, %convert_element_type3A_367, %dot_general3A_372 {dimension_numbers = #tpu.dot_dimension_numbers<[1], [0], [0], [1], [0, 0, 1, 1], [], []>, transpose_lhs_hint = false} : vector<2048x2048xf32>, vector<2048x8xf32>, vector<2048x8xf32> -> vector<2048x8xf32>
      %reduce_sum3A_374 = arith.constant dense<0.000000e+00> : vector<8xf32>
      %reduce_sum3A_375 = vector.multi_reduction <add>, %convert_element_type3A_367, %reduce_sum3A_374 [0] : vector<2048x8xf32> to vector<8xf32>
      %broadcast_in_dim3A_376 = vector.shape_cast %reduce_sum3A_375 : vector<8xf32> to vector<1x8xf32>
      %add3A_377 = arith.constant 1.270000e+02 : f32
      %add3A_378 = vector.broadcast %add3A_377 : f32 to vector<1x8xf32>
      %add3A_379 = arith.addf %broadcast_in_dim3A_376, %add3A_378 : vector<1x8xf32>
      %mul3A_380 = arith.constant 7.812500e-03 : f32
      %mul3A_381 = vector.broadcast %mul3A_380 : f32 to vector<1x8xf32>
      %mul3A_382 = arith.mulf %add3A_379, %mul3A_381 : vector<1x8xf32>
      %floor3A = math.floor %mul3A_382 : vector<1x8xf32>
      %iota3A_383 = tpu.iota {dimensions = array<i32: 0>} : vector<8x8xi32>
      %iota3A_384 = tpu.iota {dimensions = array<i32: 1>} : vector<8x8xi32>
      %lt3A_385 = arith.cmpi slt, %iota3A_383, %iota3A_384 : vector<8x8xi32>
      %convert_element_type3A_386 = arith.extui %lt3A_385 : vector<8x8xi1> to vector<8x8xi32>
      %convert_element_type3A_387 = arith.sitofp %convert_element_type3A_386 : vector<8x8xi32> to vector<8x8xf32>
      %dot_general3A_388 = arith.constant dense<0.000000e+00> : vector<1x8xf32>
      %dot_general3A_389 = tpu.matmul %floor3A, %convert_element_type3A_387, %dot_general3A_388 {dimension_numbers = #tpu.dot_dimension_numbers<[1], [0], [0], [1], [0, 0, 1, 1], [], []>, transpose_lhs_hint = false} : vector<1x8xf32>, vector<8x8xf32>, vector<1x8xf32> -> vector<1x8xf32>
      %mul3A_390 = arith.constant 1.280000e+02 : f32
      %mul3A_391 = vector.broadcast %mul3A_390 : f32 to vector<1x8xf32>
      %mul3A_392 = arith.mulf %dot_general3A_389, %mul3A_391 : vector<1x8xf32>
      %add3A_393 = vector.broadcast %mul3A_392 : vector<1x8xf32> to vector<2048x8xf32>
      %add3A_394 = arith.addf %add3A_393, %dot_general3A_373 : vector<2048x8xf32>
      %iota3A_395 = tpu.iota {dimensions = array<i32: 1>} : vector<2048x8xi32>
      %jit3A_396 = arith.constant 8 : i32
      %broadcast_in_dim3A_397 = vector.broadcast %jit3A_396 : i32 to vector<2048x8xi32>
      %select_n3A_398 = arith.select %gt3A_365, %iota3A_395, %broadcast_in_dim3A_397 : vector<2048x8xi1>, vector<2048x8xi32>
      %reduce_min3A_399 = arith.constant dense<2147483647> : vector<2048xi32>
      %reduce_min3A_400 = vector.multi_reduction <minsi>, %select_n3A_398, %reduce_min3A_399 [1] : vector<2048x8xi32> to vector<2048xi32>
      %broadcast_in_dim3A_401 = vector.shape_cast %reduce_min3A_400 : vector<2048xi32> to vector<2048x1xi32>
      %jit3A_402 = arith.constant -1 : i32
      %broadcast_in_dim3A_403 = vector.broadcast %jit3A_402 : i32 to vector<2048x8xi32>
      %select_n3A_404 = arith.select %gt3A_365, %iota3A_395, %broadcast_in_dim3A_403 : vector<2048x8xi1>, vector<2048x8xi32>
      %reduce_max3A_405 = arith.constant dense<-2147483648> : vector<2048xi32>
      %reduce_max3A_406 = vector.multi_reduction <maxsi>, %select_n3A_404, %reduce_max3A_405 [1] : vector<2048x8xi32> to vector<2048xi32>
      %broadcast_in_dim3A_407 = vector.shape_cast %reduce_max3A_406 : vector<2048xi32> to vector<2048x1xi32>
      %eq3A_408 = vector.broadcast %broadcast_in_dim3A_401 : vector<2048x1xi32> to vector<2048x8xi32>
      %eq3A_409 = arith.cmpi eq, %iota3A_395, %eq3A_408 : vector<2048x8xi32>
      %eq3A_410 = vector.broadcast %broadcast_in_dim3A_407 : vector<2048x1xi32> to vector<2048x8xi32>
      %eq3A_411 = arith.cmpi eq, %iota3A_395, %eq3A_410 : vector<2048x8xi32>
      %jit3A_412 = arith.constant 0.000000e+00 : f32
      %broadcast_in_dim3A_413 = vector.broadcast %jit3A_412 : f32 to vector<2048x8xf32>
      %select_n3A_414 = arith.select %eq3A_409, %add3A_394, %broadcast_in_dim3A_413 : vector<2048x8xi1>, vector<2048x8xf32>
      %reduce_sum3A_415 = arith.constant dense<0.000000e+00> : vector<2048xf32>
      %reduce_sum3A_416 = vector.multi_reduction <add>, %select_n3A_414, %reduce_sum3A_415 [1] : vector<2048x8xf32> to vector<2048xf32>
      %broadcast_in_dim3A_417 = vector.shape_cast %reduce_sum3A_416 : vector<2048xf32> to vector<2048x1xf32>
      %jit3A_418 = arith.constant 0.000000e+00 : f32
      %broadcast_in_dim3A_419 = vector.broadcast %jit3A_418 : f32 to vector<2048x8xf32>
      %select_n3A_420 = arith.select %eq3A_411, %add3A_394, %broadcast_in_dim3A_419 : vector<2048x8xi1>, vector<2048x8xf32>
      %reduce_sum3A_421 = arith.constant dense<0.000000e+00> : vector<2048xf32>
      %reduce_sum3A_422 = vector.multi_reduction <add>, %select_n3A_420, %reduce_sum3A_421 [1] : vector<2048x8xf32> to vector<2048xf32>
      %broadcast_in_dim3A_423 = vector.shape_cast %reduce_sum3A_422 : vector<2048xf32> to vector<2048x1xf32>
      %jit3A_424 = arith.constant 0.000000e+00 : f32
      %broadcast_in_dim3A_425 = vector.broadcast %jit3A_424 : f32 to vector<2048x8xf32>
      %select_n3A_426 = arith.select %eq3A_409, %get3A_362, %broadcast_in_dim3A_425 : vector<2048x8xi1>, vector<2048x8xf32>
      %reduce_sum3A_427 = arith.constant dense<0.000000e+00> : vector<2048xf32>
      %reduce_sum3A_428 = vector.multi_reduction <add>, %select_n3A_426, %reduce_sum3A_427 [1] : vector<2048x8xf32> to vector<2048xf32>
      %broadcast_in_dim3A_429 = vector.shape_cast %reduce_sum3A_428 : vector<2048xf32> to vector<2048x1xf32>
      %jit3A_430 = arith.constant 0.000000e+00 : f32
      %broadcast_in_dim3A_431 = vector.broadcast %jit3A_430 : f32 to vector<2048x8xf32>
      %select_n3A_432 = arith.select %eq3A_411, %get3A_362, %broadcast_in_dim3A_431 : vector<2048x8xi1>, vector<2048x8xf32>
      %reduce_sum3A_433 = arith.constant dense<0.000000e+00> : vector<2048xf32>
      %reduce_sum3A_434 = vector.multi_reduction <add>, %select_n3A_432, %reduce_sum3A_433 [1] : vector<2048x8xf32> to vector<2048xf32>
      %broadcast_in_dim3A_435 = vector.shape_cast %reduce_sum3A_434 : vector<2048xf32> to vector<2048x1xf32>
      %concatenate3A_436 = tpu.concatenate %broadcast_in_dim3A_417, %broadcast_in_dim3A_423 in 1 : vector<2048x1xf32>, vector<2048x1xf32> -> vector<2048x2xf32>
      %convert_element_type3A_437 = arith.fptosi %concatenate3A_436 : vector<2048x2xf32> to vector<2048x2xi32>
      %swap3A_438 = arith.constant 0 : index
      %swap3A_439 = arith.constant 0 : index
      %swap3A_440 = vector.load %arg13[%swap3A_438, %swap3A_439] : memref<2048x2xi32, #tpu.memory_space<vmem>>, vector<2048x2xi32>
      tpu.vector_store %arg13[%swap3A_438, %swap3A_439], %convert_element_type3A_437 {strides = array<i32>} : memref<2048x2xi32, #tpu.memory_space<vmem>>, vector<2048x2xi32>,
      %concatenate3A_441 = tpu.concatenate %broadcast_in_dim3A_429, %broadcast_in_dim3A_435 in 1 : vector<2048x1xf32>, vector<2048x1xf32> -> vector<2048x2xf32>
      %swap3A_442 = arith.constant 0 : index
      %swap3A_443 = arith.constant 0 : index
      %swap3A_444 = vector.load %arg14[%swap3A_442, %swap3A_443] : memref<2048x2xf32, #tpu.memory_space<vmem>>, vector<2048x2xf32>
      tpu.vector_store %arg14[%swap3A_442, %swap3A_443], %concatenate3A_441 {strides = array<i32>} : memref<2048x2xf32, #tpu.memory_space<vmem>>, vector<2048x2xf32>,
      %iota3A_445 = tpu.iota {dimensions = array<i32: 0>} : vector<40x8xi32>
      %convert_element_type3A_446 = arith.sitofp %iota3A_445 : vector<40x8xi32> to vector<40x8xf32>
      %ge3A = vector.broadcast %dot_general3A_389 : vector<1x8xf32> to vector<40x8xf32>
      %ge3A_447 = arith.cmpf oge, %convert_element_type3A_446, %ge3A : vector<40x8xf32>
      %convert_element_type3A_448 = arith.extui %ge3A_447 : vector<40x8xi1> to vector<40x8xi32>
      %convert_element_type3A_449 = arith.sitofp %convert_element_type3A_448 : vector<40x8xi32> to vector<40x8xf32>
      %reduce_sum3A_450 = arith.constant dense<0.000000e+00> : vector<40xf32>
      %reduce_sum3A_451 = vector.multi_reduction <add>, %convert_element_type3A_449, %reduce_sum3A_450 [1] : vector<40x8xf32> to vector<40xf32>
      %broadcast_in_dim3A_452 = vector.shape_cast %reduce_sum3A_451 : vector<40xf32> to vector<40x1xf32>
      %sub3A_453 = arith.constant 1.000000e+00 : f32
      %sub3A_454 = vector.broadcast %sub3A_453 : f32 to vector<40x1xf32>
      %sub3A_455 = arith.subf %broadcast_in_dim3A_452, %sub3A_454 : vector<40x1xf32>
      %broadcast_in_dim3A_456 = vector.shape_cast %sub3A_455 : vector<40x1xf32> to vector<40x1xf32>
      %broadcast_in_dim3A_457 = vector.broadcast %broadcast_in_dim3A_456 : vector<40x1xf32> to vector<40x8xf32>
      %swap3A_458 = arith.constant 0 : index
      %swap3A_459 = arith.constant 0 : index
      %swap3A_460 = vector.load %arg15[%swap3A_458, %swap3A_459] : memref<40x8xf32, #tpu.memory_space<vmem>>, vector<40x8xf32>
      tpu.vector_store %arg15[%swap3A_458, %swap3A_459], %broadcast_in_dim3A_457 {strides = array<i32>} : memref<40x8xf32, #tpu.memory_space<vmem>>, vector<40x8xf32>,
    } else {
    }
    return
  }
  func.func @transform_0(%arg0: i32) -> (i32, i32) {
    %c0_i32 = arith.constant 0 : i32
    %c0_i32_0 = arith.constant 0 : i32
    return %arg0, %c0_i32 : i32, i32
  }
  func.func @transform_1(%arg0: i32) -> (i32, i32) {
    %c0_i32 = arith.constant 0 : i32
    %c0_i32_0 = arith.constant 0 : i32
    %c0_i32_1 = arith.constant 0 : i32
    return %c0_i32, %c0_i32_0 : i32, i32
  }
  func.func @transform_2(%arg0: i32) -> (i32, i32) {
    %c0_i32 = arith.constant 0 : i32
    %c0_i32_0 = arith.constant 0 : i32
    %c0_i32_1 = arith.constant 0 : i32
    return %c0_i32, %c0_i32_0 : i32, i32
  }
  func.func @transform_3(%arg0: i32) -> (i32, i32) {
    %c0_i32 = arith.constant 0 : i32
    %c0_i32_0 = arith.constant 0 : i32
    %c0_i32_1 = arith.constant 0 : i32
    return %c0_i32, %c0_i32_0 : i32, i32
  }
  func.func @transform_4(%arg0: i32) -> (i32, i32) {
    %c0_i32 = arith.constant 0 : i32
    %c0_i32_0 = arith.constant 0 : i32
    %c0_i32_1 = arith.constant 0 : i32
    return %c0_i32, %c0_i32_0 : i32, i32
  }
  func.func @transform_5(%arg0: i32) -> (i32, i32) {
    %c0_i32 = arith.constant 0 : i32
    %c0_i32_0 = arith.constant 0 : i32
    %c0_i32_1 = arith.constant 0 : i32
    return %c0_i32, %c0_i32_0 : i32, i32
  }
  func.func @transform_6(%arg0: i32) -> (i32, i32) {
    %c0_i32 = arith.constant 0 : i32
    %c0_i32_0 = arith.constant 0 : i32
    %c0_i32_1 = arith.constant 0 : i32
    return %c0_i32, %c0_i32_0 : i32, i32
  }
  func.func @transform_7(%arg0: i32) -> (i32, i32) {
    %c0_i32 = arith.constant 0 : i32
    %c0_i32_0 = arith.constant 0 : i32
    %c0_i32_1 = arith.constant 0 : i32
    return %c0_i32, %c0_i32_0 : i32, i32
  }
  func.func @transform_8(%arg0: i32) -> (i32, i32) {
    %c0_i32 = arith.constant 0 : i32
    %c0_i32_0 = arith.constant 0 : i32
    %c0_i32_1 = arith.constant 0 : i32
    return %c0_i32, %c0_i32_0 : i32, i32
  }
  func.func @transform_9(%arg0: i32) -> (i32, i32) {
    %c0_i32 = arith.constant 0 : i32
    %c0_i32_0 = arith.constant 0 : i32
    return %arg0, %c0_i32 : i32, i32
  }
  func.func @transform_10(%arg0: i32) -> (i32, i32) {
    %c0_i32 = arith.constant 0 : i32
    %c0_i32_0 = arith.constant 0 : i32
    return %arg0, %c0_i32 : i32, i32
  }
  func.func @transform_11(%arg0: i32) -> (i32, i32) {
    %c0_i32 = arith.constant 0 : i32
    %c0_i32_0 = arith.constant 0 : i32
    return %arg0, %c0_i32 : i32, i32
  }
  func.func @transform_12(%arg0: i32) -> (i32, i32) {
    %c0_i32 = arith.constant 0 : i32
    %c0_i32_0 = arith.constant 0 : i32
    %c0_i32_1 = arith.constant 0 : i32
    return %c0_i32, %c0_i32_0 : i32, i32
  }
  func.func @transform_13(%arg0: i32) -> (i32, i32) {
    %c0_i32 = arith.constant 0 : i32
    %c0_i32_0 = arith.constant 0 : i32
    %c0_i32_1 = arith.constant 0 : i32
    return %c0_i32, %c0_i32_0 : i32, i32
  }
  func.func @transform_14(%arg0: i32) -> (i32, i32) {
    %c0_i32 = arith.constant 0 : i32
    %c0_i32_0 = arith.constant 0 : i32
    %c0_i32_1 = arith.constant 0 : i32
    return %c0_i32, %c0_i32_0 : i32, i32
  }
}

module attributes {stable_mosaic.version = 14 : i64} {
  func.func @_expert_body(%arg0: i32, %arg1: memref<40xi32, #tpu.memory_space<smem>>, %arg2: memref<128x512xi32, #tpu.memory_space<vmem>>, %arg3: memref<1x1024x2048xbf16, #tpu.memory_space<vmem>>, %arg4: memref<1x2048x1024xbf16, #tpu.memory_space<vmem>>, %arg5: memref<128x512xi32, #tpu.memory_space<vmem>>) attributes {dimension_semantics = [#tpu.dimension_semantics<arbitrary>], iteration_bounds = array<i64: 40>, scalar_prefetch = 1 : i64, scratch_operands = 0 : i64, tpu.core_type = #tpu.core_type<tc>, window_params = [{transform_indices = @transform_0, window_bounds = array<i64: 128, 512>}, {transform_indices = @transform_1, window_bounds = array<i64: 1, 1024, 2048>}, {transform_indices = @transform_2, window_bounds = array<i64: 1, 2048, 1024>}, {transform_indices = @transform_3, window_bounds = array<i64: 128, 512>}]} {
    %get3A = arith.constant 0 : index
    %get3A_0 = arith.constant 0 : index
    %get3A_1 = vector.load %arg2[%get3A, %get3A_0] : memref<128x512xi32, #tpu.memory_space<vmem>>, vector<128x512xi32>
    %shift_left3A = arith.constant 16 : i32
    %shift_left3A_2 = vector.broadcast %shift_left3A : i32 to vector<128x512xi32>
    %shift_left3A_3 = arith.shli %get3A_1, %shift_left3A_2 : vector<128x512xi32>
    %bitcast_convert_type3A = tpu.bitcast %shift_left3A_3 : vector<128x512xi32> -> vector<128x512xf32>
    %and3A = arith.constant -65536 : i32
    %and3A_4 = vector.broadcast %and3A : i32 to vector<128x512xi32>
    %and3A_5 = arith.andi %get3A_1, %and3A_4 : vector<128x512xi32>
    %bitcast_convert_type3A_6 = tpu.bitcast %and3A_5 : vector<128x512xi32> -> vector<128x512xf32>
    %concatenate3A = tpu.concatenate %bitcast_convert_type3A, %bitcast_convert_type3A_6 in 1 : vector<128x512xf32>, vector<128x512xf32> -> vector<128x1024xf32>
    %convert_element_type3A = arith.truncf %concatenate3A : vector<128x1024xf32> to vector<128x1024xbf16>
    %get3A_7 = arith.constant 0 : index
    %get3A_8 = arith.constant 0 : index
    %get3A_9 = arith.constant 0 : index
    %get3A_10 = vector.load %arg3[%get3A_7, %get3A_8, %get3A_9] : memref<1x1024x2048xbf16, #tpu.memory_space<vmem>>, vector<1x1024x2048xbf16>
    %get3A_11 = vector.shape_cast %get3A_10 : vector<1x1024x2048xbf16> to vector<1024x2048xbf16>
    %dot_general3A = arith.constant dense<0.000000e+00> : vector<128x2048xf32>
    %dot_general3A_12 = tpu.matmul %convert_element_type3A, %get3A_11, %dot_general3A {dimension_numbers = #tpu.dot_dimension_numbers<[1], [0], [0], [1], [0, 0, 1, 1], [], []>, transpose_lhs_hint = false} : vector<128x1024xbf16>, vector<1024x2048xbf16>, vector<128x2048xf32> -> vector<128x2048xf32>
    %neg3A = arith.constant 0.000000e+00 : f32
    %neg3A_13 = vector.broadcast %neg3A : f32 to vector<128x2048xf32>
    %neg3A_14 = arith.subf %neg3A_13, %dot_general3A_12 : vector<128x2048xf32>
    %exp3A = math.exp %neg3A_14 : vector<128x2048xf32>
    %add3A = arith.constant 1.000000e+00 : f32
    %add3A_15 = vector.broadcast %add3A : f32 to vector<128x2048xf32>
    %add3A_16 = arith.addf %add3A_15, %exp3A : vector<128x2048xf32>
    %div3A = arith.divf %dot_general3A_12, %add3A_16 : vector<128x2048xf32>
    %convert_element_type3A_17 = arith.truncf %div3A : vector<128x2048xf32> to vector<128x2048xbf16>
    %get3A_18 = arith.constant 0 : index
    %get3A_19 = arith.constant 0 : index
    %get3A_20 = arith.constant 0 : index
    %get3A_21 = vector.load %arg4[%get3A_18, %get3A_19, %get3A_20] : memref<1x2048x1024xbf16, #tpu.memory_space<vmem>>, vector<1x2048x1024xbf16>
    %get3A_22 = vector.shape_cast %get3A_21 : vector<1x2048x1024xbf16> to vector<2048x1024xbf16>
    %dot_general3A_23 = arith.constant dense<0.000000e+00> : vector<128x1024xf32>
    %dot_general3A_24 = tpu.matmul %convert_element_type3A_17, %get3A_22, %dot_general3A_23 {dimension_numbers = #tpu.dot_dimension_numbers<[1], [0], [0], [1], [0, 0, 1, 1], [], []>, transpose_lhs_hint = false} : vector<128x2048xbf16>, vector<2048x1024xbf16>, vector<128x1024xf32> -> vector<128x1024xf32>
    %slice3A = vector.extract_strided_slice %dot_general3A_24 {offsets = [0, 0], sizes = [128, 512], strides = [1, 1]} : vector<128x1024xf32> to vector<128x512xf32>
    %slice3A_25 = vector.extract_strided_slice %dot_general3A_24 {offsets = [0, 512], sizes = [128, 512], strides = [1, 1]} : vector<128x1024xf32> to vector<128x512xf32>
    %convert_element_type3A_26 = arith.truncf %slice3A : vector<128x512xf32> to vector<128x512xbf16>
    %convert_element_type3A_27 = arith.extf %convert_element_type3A_26 : vector<128x512xbf16> to vector<128x512xf32>
    %bitcast_convert_type3A_28 = tpu.bitcast %convert_element_type3A_27 : vector<128x512xf32> -> vector<128x512xi32>
    %convert_element_type3A_29 = arith.truncf %slice3A_25 : vector<128x512xf32> to vector<128x512xbf16>
    %convert_element_type3A_30 = arith.extf %convert_element_type3A_29 : vector<128x512xbf16> to vector<128x512xf32>
    %bitcast_convert_type3A_31 = tpu.bitcast %convert_element_type3A_30 : vector<128x512xf32> -> vector<128x512xi32>
    %shift_right_logical3A = arith.constant 16 : i32
    %shift_right_logical3A_32 = vector.broadcast %shift_right_logical3A : i32 to vector<128x512xi32>
    %shift_right_logical3A_33 = arith.shrui %bitcast_convert_type3A_28, %shift_right_logical3A_32 : vector<128x512xi32>
    %or3A = arith.ori %shift_right_logical3A_33, %bitcast_convert_type3A_31 : vector<128x512xi32>
    %swap3A = arith.constant 0 : index
    %swap3A_34 = arith.constant 0 : index
    %swap3A_35 = vector.load %arg5[%swap3A, %swap3A_34] : memref<128x512xi32, #tpu.memory_space<vmem>>, vector<128x512xi32>
    tpu.vector_store %arg5[%swap3A, %swap3A_34], %or3A {strides = array<i32>} : memref<128x512xi32, #tpu.memory_space<vmem>>, vector<128x512xi32>,
    return
  }
  func.func @transform_0(%arg0: i32, %arg1: memref<40xi32, #tpu.memory_space<smem>>) -> (i32, i32) {
    %c0_i32 = arith.constant 0 : i32
    %c0_i32_0 = arith.constant 0 : i32
    return %arg0, %c0_i32 : i32, i32
  }
  func.func @transform_1(%arg0: i32, %arg1: memref<40xi32, #tpu.memory_space<smem>>) -> (i32, i32, i32) {
    %get3A = arith.index_cast %arg0 : i32 to index
    %get3A_0 = memref.load %arg1[%get3A] : memref<40xi32, #tpu.memory_space<smem>>
    %c0_i32 = arith.constant 0 : i32
    %c0_i32_1 = arith.constant 0 : i32
    %c0_i32_2 = arith.constant 0 : i32
    return %get3A_0, %c0_i32, %c0_i32_1 : i32, i32, i32
  }
  func.func @transform_2(%arg0: i32, %arg1: memref<40xi32, #tpu.memory_space<smem>>) -> (i32, i32, i32) {
    %get3A = arith.index_cast %arg0 : i32 to index
    %get3A_0 = memref.load %arg1[%get3A] : memref<40xi32, #tpu.memory_space<smem>>
    %c0_i32 = arith.constant 0 : i32
    %c0_i32_1 = arith.constant 0 : i32
    %c0_i32_2 = arith.constant 0 : i32
    return %get3A_0, %c0_i32, %c0_i32_1 : i32, i32, i32
  }
  func.func @transform_3(%arg0: i32, %arg1: memref<40xi32, #tpu.memory_space<smem>>) -> (i32, i32) {
    %c0_i32 = arith.constant 0 : i32
    %c0_i32_0 = arith.constant 0 : i32
    return %arg0, %c0_i32 : i32, i32
  }
}

module attributes {stable_mosaic.version = 14 : i64} {
  func.func @_final_body(%arg0: i32, %arg1: memref<256x1024xf32, #tpu.memory_space<vmem>>, %arg2: memref<256x512xi32, #tpu.memory_space<vmem>>, %arg3: memref<256x512xi32, #tpu.memory_space<vmem>>, %arg4: memref<256x2xf32, #tpu.memory_space<vmem>>, %arg5: memref<1x1024xf32, #tpu.memory_space<vmem>>, %arg6: memref<256x1024xf32, #tpu.memory_space<vmem>>) attributes {dimension_semantics = [#tpu.dimension_semantics<arbitrary>], iteration_bounds = array<i64: 8>, scalar_prefetch = 0 : i64, scratch_operands = 0 : i64, tpu.core_type = #tpu.core_type<tc>, window_params = [{transform_indices = @transform_0, window_bounds = array<i64: 256, 1024>}, {transform_indices = @transform_1, window_bounds = array<i64: 256, 512>}, {transform_indices = @transform_2, window_bounds = array<i64: 256, 512>}, {transform_indices = @transform_3, window_bounds = array<i64: 256, 2>}, {pipeline_mode = #tpu.pipeline_mode<synchronous>, transform_indices = @transform_4, window_bounds = array<i64: 1, 1024>}, {transform_indices = @transform_5, window_bounds = array<i64: 256, 1024>}]} {
    %get3A = arith.constant 0 : index
    %get3A_0 = arith.constant 0 : index
    %get3A_1 = vector.load %arg4[%get3A, %get3A_0] : memref<256x2xf32, #tpu.memory_space<vmem>>, vector<256x2xf32>
    %get3A_2 = arith.constant 0 : index
    %get3A_3 = arith.constant 0 : index
    %get3A_4 = vector.load %arg2[%get3A_2, %get3A_3] : memref<256x512xi32, #tpu.memory_space<vmem>>, vector<256x512xi32>
    %shift_left3A = arith.constant 16 : i32
    %shift_left3A_5 = vector.broadcast %shift_left3A : i32 to vector<256x512xi32>
    %shift_left3A_6 = arith.shli %get3A_4, %shift_left3A_5 : vector<256x512xi32>
    %bitcast_convert_type3A = tpu.bitcast %shift_left3A_6 : vector<256x512xi32> -> vector<256x512xf32>
    %and3A = arith.constant -65536 : i32
    %and3A_7 = vector.broadcast %and3A : i32 to vector<256x512xi32>
    %and3A_8 = arith.andi %get3A_4, %and3A_7 : vector<256x512xi32>
    %bitcast_convert_type3A_9 = tpu.bitcast %and3A_8 : vector<256x512xi32> -> vector<256x512xf32>
    %get3A_10 = arith.constant 0 : index
    %get3A_11 = arith.constant 0 : index
    %get3A_12 = vector.load %arg3[%get3A_10, %get3A_11] : memref<256x512xi32, #tpu.memory_space<vmem>>, vector<256x512xi32>
    %shift_left3A_13 = arith.constant 16 : i32
    %shift_left3A_14 = vector.broadcast %shift_left3A_13 : i32 to vector<256x512xi32>
    %shift_left3A_15 = arith.shli %get3A_12, %shift_left3A_14 : vector<256x512xi32>
    %bitcast_convert_type3A_16 = tpu.bitcast %shift_left3A_15 : vector<256x512xi32> -> vector<256x512xf32>
    %and3A_17 = arith.constant -65536 : i32
    %and3A_18 = vector.broadcast %and3A_17 : i32 to vector<256x512xi32>
    %and3A_19 = arith.andi %get3A_12, %and3A_18 : vector<256x512xi32>
    %bitcast_convert_type3A_20 = tpu.bitcast %and3A_19 : vector<256x512xi32> -> vector<256x512xf32>
    %slice3A = vector.extract_strided_slice %get3A_1 {offsets = [0, 0], sizes = [256, 1], strides = [1, 1]} : vector<256x2xf32> to vector<256x1xf32>
    %mul3A = vector.broadcast %slice3A : vector<256x1xf32> to vector<256x512xf32>
    %mul3A_21 = arith.mulf %mul3A, %bitcast_convert_type3A : vector<256x512xf32>
    %slice3A_22 = vector.extract_strided_slice %get3A_1 {offsets = [0, 1], sizes = [256, 1], strides = [1, 1]} : vector<256x2xf32> to vector<256x1xf32>
    %mul3A_23 = vector.broadcast %slice3A_22 : vector<256x1xf32> to vector<256x512xf32>
    %mul3A_24 = arith.mulf %mul3A_23, %bitcast_convert_type3A_16 : vector<256x512xf32>
    %add3A = arith.addf %mul3A_21, %mul3A_24 : vector<256x512xf32>
    %slice3A_25 = vector.extract_strided_slice %get3A_1 {offsets = [0, 0], sizes = [256, 1], strides = [1, 1]} : vector<256x2xf32> to vector<256x1xf32>
    %mul3A_26 = vector.broadcast %slice3A_25 : vector<256x1xf32> to vector<256x512xf32>
    %mul3A_27 = arith.mulf %mul3A_26, %bitcast_convert_type3A_9 : vector<256x512xf32>
    %slice3A_28 = vector.extract_strided_slice %get3A_1 {offsets = [0, 1], sizes = [256, 1], strides = [1, 1]} : vector<256x2xf32> to vector<256x1xf32>
    %mul3A_29 = vector.broadcast %slice3A_28 : vector<256x1xf32> to vector<256x512xf32>
    %mul3A_30 = arith.mulf %mul3A_29, %bitcast_convert_type3A_20 : vector<256x512xf32>
    %add3A_31 = arith.addf %mul3A_27, %mul3A_30 : vector<256x512xf32>
    %concatenate3A = tpu.concatenate %add3A, %add3A_31 in 1 : vector<256x512xf32>, vector<256x512xf32> -> vector<256x1024xf32>
    %get3A_32 = arith.constant 0 : index
    %get3A_33 = arith.constant 0 : index
    %get3A_34 = vector.load %arg1[%get3A_32, %get3A_33] : memref<256x1024xf32, #tpu.memory_space<vmem>>, vector<256x1024xf32>
    %get3A_35 = arith.constant 0 : index
    %get3A_36 = arith.constant 0 : index
    %get3A_37 = vector.load %arg5[%get3A_35, %get3A_36] : memref<1x1024xf32, #tpu.memory_space<vmem>>, vector<1x1024xf32>
    %mul3A_38 = arith.mulf %concatenate3A, %concatenate3A : vector<256x1024xf32>
    %reduce_sum3A = arith.constant dense<0.000000e+00> : vector<256xf32>
    %reduce_sum3A_39 = vector.multi_reduction <add>, %mul3A_38, %reduce_sum3A [1] : vector<256x1024xf32> to vector<256xf32>
    %broadcast_in_dim3A = vector.shape_cast %reduce_sum3A_39 : vector<256xf32> to vector<256x1xf32>
    %div3A = arith.constant 1.024000e+03 : f32
    %div3A_40 = vector.broadcast %div3A : f32 to vector<256x1xf32>
    %div3A_41 = arith.divf %broadcast_in_dim3A, %div3A_40 : vector<256x1xf32>
    %add3A_42 = arith.constant 9.99999974E-6 : f32
    %add3A_43 = vector.broadcast %add3A_42 : f32 to vector<256x1xf32>
    %add3A_44 = arith.addf %div3A_41, %add3A_43 : vector<256x1xf32>
    %rsqrt3A = math.rsqrt %add3A_44 : vector<256x1xf32>
    %mul3A_45 = vector.broadcast %rsqrt3A : vector<256x1xf32> to vector<256x1024xf32>
    %mul3A_46 = arith.mulf %concatenate3A, %mul3A_45 : vector<256x1024xf32>
    %mul3A_47 = vector.broadcast %get3A_37 : vector<1x1024xf32> to vector<256x1024xf32>
    %mul3A_48 = arith.mulf %mul3A_46, %mul3A_47 : vector<256x1024xf32>
    %add3A_49 = arith.addf %get3A_34, %mul3A_48 : vector<256x1024xf32>
    %swap3A = arith.constant 0 : index
    %swap3A_50 = arith.constant 0 : index
    %swap3A_51 = vector.load %arg6[%swap3A, %swap3A_50] : memref<256x1024xf32, #tpu.memory_space<vmem>>, vector<256x1024xf32>
    tpu.vector_store %arg6[%swap3A, %swap3A_50], %add3A_49 {strides = array<i32>} : memref<256x1024xf32, #tpu.memory_space<vmem>>, vector<256x1024xf32>,
    return
  }
  func.func @transform_0(%arg0: i32) -> (i32, i32) {
    %c0_i32 = arith.constant 0 : i32
    %c0_i32_0 = arith.constant 0 : i32
    return %arg0, %c0_i32 : i32, i32
  }
  func.func @transform_1(%arg0: i32) -> (i32, i32) {
    %c0_i32 = arith.constant 0 : i32
    %c0_i32_0 = arith.constant 0 : i32
    return %arg0, %c0_i32 : i32, i32
  }
  func.func @transform_2(%arg0: i32) -> (i32, i32) {
    %c0_i32 = arith.constant 0 : i32
    %c0_i32_0 = arith.constant 0 : i32
    return %arg0, %c0_i32 : i32, i32
  }
  func.func @transform_3(%arg0: i32) -> (i32, i32) {
    %c0_i32 = arith.constant 0 : i32
    %c0_i32_0 = arith.constant 0 : i32
    return %arg0, %c0_i32 : i32, i32
  }
  func.func @transform_4(%arg0: i32) -> (i32, i32) {
    %c0_i32 = arith.constant 0 : i32
    %c0_i32_0 = arith.constant 0 : i32
    %c0_i32_1 = arith.constant 0 : i32
    return %c0_i32, %c0_i32_0 : i32, i32
  }
  func.func @transform_5(%arg0: i32) -> (i32, i32) {
    %c0_i32 = arith.constant 0 : i32
    %c0_i32_0 = arith.constant 0 : i32
    return %arg0, %c0_i32 : i32, i32
  }
}

</mosaic_0001>

<sc_bundles>
// kernel: kernel.10.cloned.1.call-start
scs
__scs_entry_jumppad:
0x0: {  	(pc) =	sbr.rel $0x88, $3  }
0x1: {  	(tag) =	ssettag $0x0;
	lr =	simm.s32 $0x1  }
0x2: {  	[smem:$0x3F95] =	sst lr;
	_ =	strace $0xD0000000  }
0x3: {  	_ = 	snop  }
0x4: {  	_ = 	snop  }
0x5: {  	_ = 	snop  }
0x6: {  	_ = 	snop  }
0x7: {  	_ = 	snop  }
__scs_overlays_trampoline_lowered:
0x8: {  	[smem:$0x3FA4] =	sst s0  }
0x9: {  	[smem:$0x3FA5] =	sst s1  }
0xa: {  	[smem:$0x3FA6] =	sst s2  }
0xb: {  	[smem:$0x3FA7] =	sst s3  }
0xc: {  	[smem:$0x3FA8] =	sst s4  }
0xd: {  	[smem:$0x3FA9] =	sst s5  }
0xe: {  	[smem:$0x3FAA] =	sst s6  }
0xf: {  	[smem:$0x3FAB] =	sst s7  }
0x10: {  	[smem:$0x3FAC] =	sst s8  }
0x11: {  	[smem:$0x3FAD] =	sst s9;
	s0 =	simm.s32 @!p0 $0x0  }
0x12: {  	s1 =	sld [smem:$0x3F93];
	s0 =	simm.s32 @p0 $0x1  }
0x13: {  	[smem:$0x3FAE] =	sst s0;
	s0 =	simm.s32 @!p1 $0x0  }
0x14: {  	s2 =	sld [smem:$0x3F92];
	s0 =	simm.s32 @p1 $0x1  }
0x15: {  	[smem:$0x3FAF] =	sst s0;
	s0 =	simm.s32 @!p2 $0x0  }
0x16: {  	s3 =	sld [smem:$0x3FDB];
	s0 =	simm.s32 @p2 $0x1  }
0x17: {  	s4 =	simm.s32 $0x1BF5;
	[smem:$0x3FB1] =	sst s0  }
0x18: {  	s0 =	sld [smem:$0x3F94];
	_ =	swait.ge [sflag:s4], $0x0  }
0x19: {  	s7 =	sld [smem:$0x3F95]  }
0x1a: {  	s8 =	sadd.s32 $0xFFFFE003, lr  }
0x1b: {  	s9 =	sadd.s32 $0xFFFFFEF7, lr;
	s5 =	simm.s32 $0xFFFFFFFF;
	p2 =	slt.u32 s8, $0xFFFFF086  }
0x1c: {  	p1 =	slt.u32 s9, $0xF7A;
	s5 =	simm.s32 @!p2 $0x0  }
0x1d: {  	s5 =	simm.s32 @p1 $0x1;
	p0 =	seq.s32 s7, s2  }
0x1e: {  	s7 =	smul.u32 @!p0 $0xF7A, s2;
	p2 =	seq.s32 @!p0 s5, $0x0  }
0x1f: {  	s9 =	smul.u32 $0xF7A, s1;
	s8 =	simm.s32 @!p0 $0x1BF5;
	p2 =	por !p2, p0  }
0x20: {  	[sflag:s8] =	ssyncset.s32 @!p0 $0xFFFFF086;
	s6 =	sadd.s32 @!p0 s3, s7;
	s7 =	simm.s32 @!p0 $0x108  }
0x21: {  	s3 =	sadd.s32 s3, s9;
	s6 =	sadd.s32 @!p0 $0x88, s6;
	s7 =	simm.s32 @p2 $0x1082  }
0x22: {  	[simem:s7], [sflag:s8] =	dma.local @!p0 [hbm:s6], $0xF7A  }
0x23: {  	s9 =	sor.u32 $0xD0000000, s2;
	s6 =	simm.s32 $0x108;
	_ =	swait.ge @!p0 [sflag:s8], $0x0  }
0x24: {  	s3 =	sadd.s32 $0x88, s3;
	s6 =	simm.s32 @!p1 $0x1082;
	[sflag:s4] =	ssyncset.s32 $0xFFFFF086  }
0x25: {  	[simem:s6], [sflag:s4] =	dma.local [hbm:s3], $0xF7A  }
0x26: {  	[smem:$0x3F95] =	sst s1;
	(tag) =	ssettag s2;
	_ =	strace s9  }
0x27: {  	s1 =	sld [smem:$0x3FA5]  }
0x28: {  	s2 =	sld [smem:$0x3FA6]  }
0x29: {  	s4 =	sld [smem:$0x3FA8]  }
0x2a: {  	p0 =	seq.s32 s5, $0x0;
	s5 =	sld [smem:$0x3FA9]  }
0x2b: {  	s6 =	sld [smem:$0x3FAA]  }
0x2c: {  	s7 =	sld [smem:$0x3FAB]  }
0x2d: {  	s3 =	simm.s32 $0x108;
	s8 =	sld [smem:$0x3FAC]  }
0x2e: {  	s3 =	simm.s32 @!p0 $0x1082;
	s9 =	sld [smem:$0x3FAD]  }
0x2f: {  	lr =	sadd.s32 s0, s3;
	s0 =	sld [smem:$0x3FA4]  }
0x30: {  	s3 =	sld [smem:$0x3FA7]  }
0x31: {  	[smem:$0x3FB0] =	sst s10  }
0x32: {  	s10 =	sld [smem:$0x3FAE];
	_ =	sdelay $0x3  }
0x33: {  	p0 =	seq.s32 s10, $0x1;
	s10 =	sld [smem:$0x3FB0];
	_ =	sdelay $0x3  }
0x34: {  	[smem:$0x3FB0] =	sst s10  }
0x35: {  	s10 =	sld [smem:$0x3FAF];
	_ =	sdelay $0x3  }
0x36: {  	p1 =	seq.s32 s10, $0x1;
	s10 =	sld [smem:$0x3FB0];
	_ =	sdelay $0x3  }
0x37: {  	[smem:$0x3FB0] =	sst s10  }
0x38: {  	s10 =	sld [smem:$0x3FB1]  }
0x39: {  	_ = 	snop;
	(pc) =	sbr.ind lr, $3  }
0x3a: {  	_ = 	snop  }
0x3b: {  	_ = 	snop  }
0x3c: {  	p2 =	seq.s32 s10, $0x1;
	s10 =	sld [smem:$0x3FB0]  }
0x3d: {  	_ =	shalt  }
0x3e: {  	_ =	shalt  }
0x3f: {  	_ =	shalt  }
0x40: {  	_ =	shalt  }
0x41: {  	_ =	shalt  }
0x42: {  	_ =	shalt  }
0x43: {  	_ =	shalt  }
0x44: {  	_ =	shalt  }
0x45: {  	_ =	shalt  }
0x46: {  	_ =	shalt  }
0x47: {  	_ =	shalt  }
0x48: {  	_ =	shalt  }
0x49: {  	_ =	shalt  }
0x4a: {  	_ =	shalt  }
0x4b: {  	_ =	shalt  }
0x4c: {  	_ =	shalt  }
0x4d: {  	_ =	shalt  }
0x4e: {  	_ =	shalt  }
0x4f: {  	_ =	shalt  }
0x50: {  	_ =	shalt  }
0x51: {  	_ =	shalt  }
0x52: {  	_ =	shalt  }
0x53: {  	_ =	shalt  }
0x54: {  	_ =	shalt  }
0x55: {  	_ =	shalt  }
0x56: {  	_ =	shalt  }
0x57: {  	_ =	shalt  }
0x58: {  	_ =	shalt  }
0x59: {  	_ =	shalt  }
0x5a: {  	_ =	shalt  }
0x5b: {  	_ =	shalt  }
0x5c: {  	_ =	shalt  }
0x5d: {  	_ =	shalt  }
0x5e: {  	_ =	shalt  }
0x5f: {  	_ =	shalt  }
0x60: {  	_ =	shalt  }
0x61: {  	_ =	shalt  }
0x62: {  	_ =	shalt  }
0x63: {  	_ =	shalt  }
0x64: {  	_ =	shalt  }
0x65: {  	_ =	shalt  }
0x66: {  	_ =	shalt  }
0x67: {  	_ =	shalt  }
0x68: {  	_ =	shalt  }
0x69: {  	_ =	shalt  }
0x6a: {  	_ =	shalt  }
0x6b: {  	_ =	shalt  }
0x6c: {  	_ =	shalt  }
0x6d: {  	_ =	shalt  }
0x6e: {  	_ =	shalt  }
0x6f: {  	_ =	shalt  }
0x70: {  	_ =	shalt  }
0x71: {  	_ =	shalt  }
0x72: {  	_ =	shalt  }
0x73: {  	_ =	shalt  }
0x74: {  	_ =	shalt  }
0x75: {  	_ =	shalt  }
0x76: {  	_ =	shalt  }
0x77: {  	_ =	shalt  }
0x78: {  	_ =	shalt  }
0x79: {  	_ =	shalt  }
0x7a: {  	_ =	shalt  }
0x7b: {  	_ =	shalt  }
0x7c: {  	_ =	shalt  }
0x7d: {  	_ =	shalt  }
0x7e: {  	_ =	shalt  }
0x7f: {  	_ =	shalt  }
0x80: {  	_ =	shalt  }
0x81: {  	_ =	shalt  }
0x82: {  	_ =	shalt  }
0x83: {  	_ =	shalt  }
0x84: {  	_ =	shalt  }
0x85: {  	_ =	shalt  }
0x86: {  	_ =	shalt  }
0x87: {  	_ =	shalt  }
.Lfunc_end0:
.L_simem_size_0:
called_computation.1_lowered:
.L_overlay_start_0:
0x88: {  	s2 =	sld [smem:$0x3FD9]  }
0x89: {  	s3 =	sld [smem:$0x3FFE];
	_ =	sdelay $0x1  }
0x8a: {  	s1 =	srdreg.scid  }
0x8b: {  	s0 =	sand.u32 $0x1, s1  }
0x8c: {  	s16 =	sshll.u32 s0, $0xA;
	s2 =	sadd.s32 s3, s2  }
0x8d: {  	s2 =	sadd.s32 s2, s16  }
0x8e: {  	[smem:$0x3FBC] =	sst s2  }
0x8f: {  	_ = 	snop  }
0x90: {  	(tm) =	ssettm $0x1  }
0x91: {  	s17 =	sld [smem:$0x3FFB];
	_ =	sdelay $0x3  }
0x92: {  	_ =	strace s17  }
0x93: {  	s2 =	sld [smem:$0x3FFC];
	_ =	sdelay $0x3  }
0x94: {  	_ =	strace s2  }
0x95: {  	s2 =	sld [smem:$0x3FFD];
	_ =	sdelay $0x3  }
0x96: {  	_ =	strace s2  }
0x97: {  	_ =	strace $0x8FFFFFFF  }
0x98: {  	s18 =	sld [smem:$0x3FDB];
	_ =	sdelay $0x1  }
0x99: {  	s19 =	simm.s32 $_scs_section_size  }
0x9a: {  	s4 =	simm.s32 $_size__tile_overlayer_lowered;
	s5 =	simm.s32 $_tile_overlayer_lowered  }
0x9b: {  	s22 =	simm.s32 $0x1BFF;
	s21 =	sshll.u32 s5, $0x1;
	s2 =	sadd.s32 s19, s18  }
0x9c: {  	s6 =	simm.s32 $0x0;
	s20 =	sshll.u32 s4, $0x1;
	s4 =	sadd.s32 s21, s2  }
0x9d: {  	[timem:s6], [sflag:s22] =	dma.local [hbm:s4], s20  }
0x9e: {  	_ =	swait.ge [sflag:s22], s20  }
0x9f: {  	s3 =	ssub.s32 $0x0, s20;
	[sflag:s22] =	ssyncset.done $0x0  }
0xa0: {  	[sflag:s22] =	ssyncadd.s32 s3;
	_ =	sdelay $0x1  }
0xa1: {  	s23 =	simm.s32 $0x1B8B  }
0xa2: {  	_ =	swait.ge [sflag:s23], $0x1  }
0xa3: {  	[sflag:s23] =	ssyncset.done $0x0  }
0xa4: {  	s25 =	simm.s32 $0x1B8E;
	s24 =	sld [smem:$0x3FFE];
	[sflag:s23] =	ssyncadd.s32 $0xFFFFFFFF  }
0xa5: {  	s26 =	simm.s32 $execute0_lowered;
	[smem:$0x3FD2] =	sst s25  }
0xa6: {  	s4 =	sshll.u32 s26, $0x1;
	_ =	strace $0x80000049;
	[dreg:$0x1] =	wrdreg $0xFFFFFFFF  }
0xa7: {  	s28 =	simm.s32 $_size_execute0_lowered;
	s2 =	sadd.s32 s2, s4;
	[dreg:$0x0] =	wrdreg $0x0  }
0xa8: {  	s4 =	sshll.u32 s28, $0x1;
	[dreg:$0x2] =	wrdreg s2  }
0xa9: {  	[dreg:$0x3] =	wrdreg s4  }
0xaa: {  	[dreg:$0x4] =	wrdreg $0xC0  }
0xab: {  	_ =	task [dreg:s6], $0x5FFFF  }
0xac: {  	[dreg:$0x1] =	wrdreg $0xFFFFFFFF  }
0xad: {  	[dreg:$0x0] =	wrdreg $0x60  }
0xae: {  	[dreg:$0x2] =	wrdreg s24  }
0xaf: {  	[dreg:$0x3] =	wrdreg $0x9  }
0xb0: {  	_ =	task.clear_ibuf [dreg:s6], $0x4FFFF;
	_ =	strace $0x90000049  }
0xb1: {  	s29 =	simm.s32 $0x9;
	_ =	strace $0x8000004B  }
0xb2: {  	_ =	swait.ge [sflag:s29], $0x1  }
0xb3: {  	[sflag:s29] =	ssyncadd.s32 $0xFFFFFFFF  }
0xb4: {  	_ =	strace $0x9000004B  }
0xb5: {  	_ =	sfence  }
0xb6: {  	s30 =	sld [smem:$0x0];
	_ =	sdelay $0x2  }
0xb7: {  	s31 =	sshll.u32 s1, $0xD;
	s1 =	sshrl.u32 s1, $0x2  }
0xb8: {  	s3 =	sand.u32 $0x4000, s31;
	s1 =	sadd.s32 s1, s30  }
0xb9: {  	s0 =	sor.u32 s3, s0;
	s1 =	sshll.u32 s1, $0x11  }
0xba: {  	s0 =	sor.u32 s1, s0  }
0xbb: {  	s0 =	sadd.s32 $0x8F2B, s0  }
0xbc: {  	[sflag:s0] =	ssyncadd.remote.s32 $0x1  }
0xbd: {  	_ =	sfence.sel $0xFFFF  }
0xbe: {  	[dreg:$0x0] =	wrdreg $0xFFFFFFFF;
	(pc) =	sbr.abs _section_cstart, $3  }
0xbf: {  	[dreg:$0x1] =	wrdreg $0xFFFFFFFF  }
0xc0: {  	_ =	task.clear_ibuf [dreg:s6], $0x2FFFF;
	_ =	strace $0x9FFFFFFF  }
0xc1: {  	(tm) =	ssettm $0x7FFFFFFF  }
tec
execute0_lowered:
.L_overlay_start_1:
0x0: {  	(tag) =	ssettag $0x1  }
0x1: {  	s1 =	srdreg.scid;
	s0 =	stileid.u32  }
0x2: {  	s4 =	rddreg [dreg:$0x0];
	s1 =	sand.u32 $0x1, s1;
	s2 =	sshll.u32 s0, $0x1  }
0x3: {  	s13 =	simm.s32 $0x80;
	s3 =	sor.u32 s1, s2;
	s2 =	simm.s32 $0x0  }
0x4: {  	s14 =	simm.s32 $0x900;
	s15 =	simm.s32 $0x1100;
	[smem:$0x7FF] =	sst s2  }
0x5: {  	s16 =	simm.s32 $0x1900;
	_ =	strace $0x8000004A;
	[dreg:$0x6] =	wrdreg s13  }
0x6: {  	s17 =	simm.s32 $0x2100;
	s18 =	simm.s32 $0x2900;
	[dreg:$0x7] =	wrdreg s14  }
0x7: {  	s20 =	simm.s32 $0x3100;
	s21 =	simm.s32 $0x3900;
	[dreg:$0x8] =	wrdreg s15  }
0x8: {  	s22 =	simm.s32 $0x4100;
	s23 =	simm.s32 $0x4900;
	[dreg:$0x9] =	wrdreg s16  }
0x9: {  	s24 =	simm.s32 $0x5100;
	s7 =	simm.s32 $0x2;
	[dreg:$0xa] =	wrdreg s17  }
0xa: {  	s25 =	simm.s32 $0x5900;
	s8 =	simm.s32 $0x100;
	[dreg:$0xb] =	wrdreg s18  }
0xb: {  	s26 =	simm.s32 $0x6100;
	s11 =	simm.s32 $0x7900;
	[dreg:$0xc] =	wrdreg s20  }
0xc: {  	s28 =	simm.s32 $0xF900;
	s29 =	simm.s32 $0x3;
	[dreg:$0xd] =	wrdreg s21  }
0xd: {  	s30 =	simm.s32 $0x4;
	s31 =	simm.s32 $0x5;
	[dreg:$0xe] =	wrdreg s22  }
0xe: {  	s1 =	ssub.s32 $0x2, s1;
	s5 =	sshll.u32 s3, $0x4;
	[dreg:$0xf] =	wrdreg s23  }
0xf: {  	s3 =	sshll.u32 s3, $0xC;
	s19 =	sshrl.u32 s1, $0x1;
	[dreg:$0x10] =	wrdreg s24  }
0x10: {  	s5 =	sadd.s32 s5, s4;
	s3 =	sadd.s32 s3, s4;
	[dreg:$0x11] =	wrdreg s25  }
0x11: {  	s1 =	ssub.s32 s1, s19;
	[dreg:$0x12] =	wrdreg s26;
	s13 =	simm.s32 $0x8900  }
0x12: {  	s14 =	simm.s32 $0x9100;
	s15 =	simm.s32 $0x9900;
	s16 =	simm.s32 $0xA100  }
0x13: {  	s17 =	simm.s32 $0xA900;
	s18 =	simm.s32 $0xB100;
	s19 =	simm.s32 $0xB900  }
0x14: {  	s20 =	simm.s32 $0xC100;
	s21 =	simm.s32 $0xC900;
	s6 =	sadd.s32 $0x22400, s5  }
0x15: {  	s22 =	simm.s32 $0xD100;
	s5 =	sadd.s32 $0x22200, s5;
	[dreg:$0x2] =	wrdreg s6  }
0x16: {  	s23 =	simm.s32 $0xD900;
	s12 =	sadd.s32 $0x2200, s3;
	[dreg:$0x3] =	wrdreg s5  }
0x17: {  	s24 =	simm.s32 $0xE100;
	s3 =	sadd.s32 $0x72600, s3;
	[dreg:$0x4] =	wrdreg s12  }
0x18: {  	v2 =	vlaneseq.u32;
	s25 =	simm.s32 $0xE900;
	s26 =	simm.s32 $0xF100;
	[dreg:$0x5] =	wrdreg s3  }
0x19: {  	vm0 =	vmmov $0xffff;
	v1 =	vshrl.u32 v2, $0x3;
	s3 =	sadd.s32 $0x22600, s4;
	s4 =	sadd.s32 $0x22700, s4;
	s5 =	smax.u32 s1, $0x1  }
0x1a: {  	v0 =	vand.u32 $0x7, v2;
	v2 =	vor.u32 $0x8, v2;
	v1 =	vmul.u32 $0x8, v1;
	s6 =	simm.s32 $0x1;
	s12 =	simm.s32 $0x8100;
	s1 =	simm.s32 $0x6  }
.LBB2_1:
0x1b: {  	s0 =	rddreg [dreg:$0x2]  }
0x1c: {  	s9 =	rddreg [dreg:$0x3]  }
0x1d: {  	[tilespmem:s2], [sflag:$0x1] =	stream.linear.gather [hbm4b:s0+s2], $0x80, $0x38;
	[tilespmem:$0x10100] =	vst v63  }
0x1e: {  	s10 =	rddreg [dreg:$0x6]  }
0x1f: {  	[tilespmem:s10], [sflag:$0x2] =	stream.linear.gather [hbm4b:s9+s2], $0x80, $0x38;
	[tilespmem:$0x10100] =	vst v63  }
0x20: {  	_ =	swait.ge [sflag:s6], $0x80  }
0x21: {  	[sflag:s6] =	ssyncset.done $0x0  }
0x22: {  	[sflag:s6] =	ssyncadd.s32 $0xFFFFFF80  }
0x23: {  	_ =	swait.ge [sflag:s7], $0x80  }
0x24: {  	[sflag:s7] =	ssyncset.done $0x0  }
0x25: {  	[sflag:s7] =	ssyncadd.s32 $0xFFFFFF80  }
0x26: {  	v3 =	vld [tilespmem:$0x0];
	_ =	sdelay $0x4  }
0x27: {  	v4 =	vshll.u32 v3, $0x2  }
0x28: {  	v3 =	vand.u32 $0x7, v3;
	v4 =	vand.u32 $0xFFFFFFE0, v4  }
0x29: {  	v3 =	vor.u32 v3, v4  }
0x2a: {  	v4 =	vperm.xlane v3, v0;
	_ =	sdelay $0x1  }
0x2b: {  	v4 =	vadd.s32 v1, v4;
	_ =	sdelay $0x1  }
0x2c: {  	v3 =	vperm.xlane v3, v2;
	_ =	sdelay $0x1  }
0x2d: {  	v3 =	vadd.s32 v1, v3  }
0x2e: {  	[tilespmem:s8], [sflag:$0x3] =	stream.indirect_vreg.gather [hbm4b:s3+s2], $0x80, v4, vm0, $0xb8;
	[tilespmem:$0x10100] =	vst v63  }
0x2f: {  	s10 =	rddreg [dreg:$0x7]  }
0x30: {  	[tilespmem:s10], [sflag:$0x3] =	stream.indirect_vreg.gather [hbm4b:s4+s2], $0x80, v4, vm0, $0xb8;
	[tilespmem:$0x10100] =	vst v63  }
0x31: {  	s9 =	rddreg [dreg:$0x8]  }
0x32: {  	[tilespmem:s9], [sflag:$0x3] =	stream.indirect_vreg.gather [hbm4b:s3+s2], $0x80, v3, vm0, $0xb8;
	[tilespmem:$0x10100] =	vst v63  }
0x33: {  	s10 =	rddreg [dreg:$0x9]  }
0x34: {  	[tilespmem:s10], [sflag:$0x3] =	stream.indirect_vreg.gather [hbm4b:s4+s2], $0x80, v3, vm0, $0xb8;
	[tilespmem:$0x10100] =	vst v63  }
0x35: {  	v3 =	vld [tilespmem:$0x10];
	_ =	sdelay $0x4  }
0x36: {  	v57 =	vshll.u32 v3, $0x2  }
0x37: {  	v3 =	vand.u32 $0x7, v3;
	v4 =	vand.u32 $0xFFFFFFE0, v57  }
0x38: {  	v3 =	vor.u32 v3, v4  }
0x39: {  	v4 =	vperm.xlane v3, v0;
	_ =	sdelay $0x1  }
0x3a: {  	v4 =	vadd.s32 v1, v4;
	_ =	sdelay $0x1  }
0x3b: {  	v3 =	vperm.xlane v3, v2;
	_ =	sdelay $0x1  }
0x3c: {  	s9 =	rddreg [dreg:$0xa];
	v3 =	vadd.s32 v1, v3  }
0x3d: {  	[tilespmem:s9], [sflag:$0x3] =	stream.indirect_vreg.gather [hbm4b:s3+s2], $0x80, v4, vm0, $0xb8;
	[tilespmem:$0x10100] =	vst v63  }
0x3e: {  	s10 =	rddreg [dreg:$0xb]  }
0x3f: {  	[tilespmem:s10], [sflag:$0x3] =	stream.indirect_vreg.gather [hbm4b:s4+s2], $0x80, v4, vm0, $0xb8;
	[tilespmem:$0x10100] =	vst v63  }
0x40: {  	s0 =	rddreg [dreg:$0xc]  }
0x41: {  	[tilespmem:s0], [sflag:$0x3] =	stream.indirect_vreg.gather [hbm4b:s3+s2], $0x80, v3, vm0, $0xb8;
	[tilespmem:$0x10100] =	vst v63  }
0x42: {  	s10 =	rddreg [dreg:$0xd]  }
0x43: {  	[tilespmem:s10], [sflag:$0x3] =	stream.indirect_vreg.gather [hbm4b:s4+s2], $0x80, v3, vm0, $0xb8;
	[tilespmem:$0x10100] =	vst v63  }
0x44: {  	v3 =	vld [tilespmem:$0x20];
	_ =	sdelay $0x4  }
0x45: {  	v58 =	vshll.u32 v3, $0x2  }
0x46: {  	v3 =	vand.u32 $0x7, v3;
	v4 =	vand.u32 $0xFFFFFFE0, v58  }
0x47: {  	v3 =	vor.u32 v3, v4  }
0x48: {  	v4 =	vperm.xlane v3, v0;
	_ =	sdelay $0x1  }
0x49: {  	v4 =	vadd.s32 v1, v4;
	_ =	sdelay $0x1  }
0x4a: {  	v3 =	vperm.xlane v3, v2;
	_ =	sdelay $0x1  }
0x4b: {  	s9 =	rddreg [dreg:$0xe];
	v3 =	vadd.s32 v1, v3  }
0x4c: {  	[tilespmem:s9], [sflag:$0x3] =	stream.indirect_vreg.gather [hbm4b:s3+s2], $0x80, v4, vm0, $0xb8;
	[tilespmem:$0x10100] =	vst v63  }
0x4d: {  	s10 =	rddreg [dreg:$0xf]  }
0x4e: {  	[tilespmem:s10], [sflag:$0x3] =	stream.indirect_vreg.gather [hbm4b:s4+s2], $0x80, v4, vm0, $0xb8;
	[tilespmem:$0x10100] =	vst v63  }
0x4f: {  	s0 =	rddreg [dreg:$0x10]  }
0x50: {  	[tilespmem:s0], [sflag:$0x3] =	stream.indirect_vreg.gather [hbm4b:s3+s2], $0x80, v3, vm0, $0xb8;
	[tilespmem:$0x10100] =	vst v63  }
0x51: {  	s10 =	rddreg [dreg:$0x11]  }
0x52: {  	[tilespmem:s10], [sflag:$0x3] =	stream.indirect_vreg.gather [hbm4b:s4+s2], $0x80, v3, vm0, $0xb8;
	[tilespmem:$0x10100] =	vst v63  }
0x53: {  	v3 =	vld [tilespmem:$0x30];
	_ =	sdelay $0x4  }
0x54: {  	v59 =	vshll.u32 v3, $0x2  }
0x55: {  	v3 =	vand.u32 $0x7, v3;
	v4 =	vand.u32 $0xFFFFFFE0, v59  }
0x56: {  	v3 =	vor.u32 v3, v4  }
0x57: {  	v4 =	vperm.xlane v3, v0;
	_ =	sdelay $0x1  }
0x58: {  	v4 =	vadd.s32 v1, v4;
	_ =	sdelay $0x1  }
0x59: {  	v3 =	vperm.xlane v3, v2;
	_ =	sdelay $0x1  }
0x5a: {  	s10 =	rddreg [dreg:$0x12];
	v3 =	vadd.s32 v1, v3  }
0x5b: {  	[tilespmem:s10], [sflag:$0x3] =	stream.indirect_vreg.gather [hbm4b:s3+s2], $0x80, v4, vm0, $0xb8;
	[tilespmem:$0x10100] =	vst v63  }
0x5c: {  	s9 =	simm.s32 $0x6900  }
0x5d: {  	[tilespmem:s9], [sflag:$0x3] =	stream.indirect_vreg.gather [hbm4b:s4+s2], $0x80, v4, vm0, $0xb8;
	[tilespmem:$0x10100] =	vst v63  }
0x5e: {  	s10 =	simm.s32 $0x7100  }
0x5f: {  	[tilespmem:s10], [sflag:$0x3] =	stream.indirect_vreg.gather [hbm4b:s3+s2], $0x80, v3, vm0, $0xb8;
	[tilespmem:$0x10100] =	vst v63  }
0x60: {  	_ = 	snop  }
0x61: {  	[tilespmem:s11], [sflag:$0x3] =	stream.indirect_vreg.gather [hbm4b:s4+s2], $0x80, v3, vm0, $0xb8;
	[tilespmem:$0x10100] =	vst v63  }
0x62: {  	v3 =	vld [tilespmem:$0x80];
	_ =	sdelay $0x4  }
0x63: {  	v60 =	vshll.u32 v3, $0x2  }
0x64: {  	v3 =	vand.u32 $0x7, v3;
	v4 =	vand.u32 $0xFFFFFFE0, v60  }
0x65: {  	v3 =	vor.u32 v3, v4  }
0x66: {  	v4 =	vperm.xlane v3, v0;
	_ =	sdelay $0x1  }
0x67: {  	v4 =	vadd.s32 v1, v4;
	_ =	sdelay $0x1  }
0x68: {  	v3 =	vperm.xlane v3, v2;
	_ =	sdelay $0x1  }
0x69: {  	v3 =	vadd.s32 v1, v3  }
0x6a: {  	[tilespmem:s12], [sflag:$0x4] =	stream.indirect_vreg.gather [hbm4b:s3+s2], $0x80, v4, vm0, $0xb8;
	[tilespmem:$0x10100] =	vst v63  }
0x6b: {  	_ = 	snop  }
0x6c: {  	[tilespmem:s13], [sflag:$0x4] =	stream.indirect_vreg.gather [hbm4b:s4+s2], $0x80, v4, vm0, $0xb8;
	[tilespmem:$0x10100] =	vst v63  }
0x6d: {  	_ = 	snop  }
0x6e: {  	[tilespmem:s14], [sflag:$0x4] =	stream.indirect_vreg.gather [hbm4b:s3+s2], $0x80, v3, vm0, $0xb8;
	[tilespmem:$0x10100] =	vst v63  }
0x6f: {  	_ = 	snop  }
0x70: {  	[tilespmem:s15], [sflag:$0x4] =	stream.indirect_vreg.gather [hbm4b:s4+s2], $0x80, v3, vm0, $0xb8;
	[tilespmem:$0x10100] =	vst v63  }
0x71: {  	v3 =	vld [tilespmem:$0x90];
	_ =	sdelay $0x4  }
0x72: {  	v61 =	vshll.u32 v3, $0x2  }
0x73: {  	v3 =	vand.u32 $0x7, v3;
	v4 =	vand.u32 $0xFFFFFFE0, v61  }
0x74: {  	v3 =	vor.u32 v3, v4  }
0x75: {  	v4 =	vperm.xlane v3, v0;
	_ =	sdelay $0x1  }
0x76: {  	v4 =	vadd.s32 v1, v4;
	_ =	sdelay $0x1  }
0x77: {  	v3 =	vperm.xlane v3, v2;
	_ =	sdelay $0x1  }
0x78: {  	v3 =	vadd.s32 v1, v3  }
0x79: {  	[tilespmem:s16], [sflag:$0x4] =	stream.indirect_vreg.gather [hbm4b:s3+s2], $0x80, v4, vm0, $0xb8;
	[tilespmem:$0x10100] =	vst v63  }
0x7a: {  	_ = 	snop  }
0x7b: {  	[tilespmem:s17], [sflag:$0x4] =	stream.indirect_vreg.gather [hbm4b:s4+s2], $0x80, v4, vm0, $0xb8;
	[tilespmem:$0x10100] =	vst v63  }
0x7c: {  	_ = 	snop  }
0x7d: {  	[tilespmem:s18], [sflag:$0x4] =	stream.indirect_vreg.gather [hbm4b:s3+s2], $0x80, v3, vm0, $0xb8;
	[tilespmem:$0x10100] =	vst v63  }
0x7e: {  	_ = 	snop  }
0x7f: {  	[tilespmem:s19], [sflag:$0x4] =	stream.indirect_vreg.gather [hbm4b:s4+s2], $0x80, v3, vm0, $0xb8;
	[tilespmem:$0x10100] =	vst v63  }
0x80: {  	v3 =	vld [tilespmem:$0xA0];
	_ =	sdelay $0x4  }
0x81: {  	v62 =	vshll.u32 v3, $0x2  }
0x82: {  	v3 =	vand.u32 $0x7, v3;
	v4 =	vand.u32 $0xFFFFFFE0, v62  }
0x83: {  	v3 =	vor.u32 v3, v4  }
0x84: {  	v4 =	vperm.xlane v3, v0;
	_ =	sdelay $0x1  }
0x85: {  	v4 =	vadd.s32 v1, v4;
	_ =	sdelay $0x1  }
0x86: {  	v3 =	vperm.xlane v3, v2;
	_ =	sdelay $0x1  }
0x87: {  	v3 =	vadd.s32 v1, v3  }
0x88: {  	[tilespmem:s20], [sflag:$0x4] =	stream.indirect_vreg.gather [hbm4b:s3+s2], $0x80, v4, vm0, $0xb8;
	[tilespmem:$0x10100] =	vst v63  }
0x89: {  	_ = 	snop  }
0x8a: {  	[tilespmem:s21], [sflag:$0x4] =	stream.indirect_vreg.gather [hbm4b:s4+s2], $0x80, v4, vm0, $0xb8;
	[tilespmem:$0x10100] =	vst v63  }
0x8b: {  	_ = 	snop  }
0x8c: {  	[tilespmem:s22], [sflag:$0x4] =	stream.indirect_vreg.gather [hbm4b:s3+s2], $0x80, v3, vm0, $0xb8;
	[tilespmem:$0x10100] =	vst v63  }
0x8d: {  	_ = 	snop  }
0x8e: {  	[tilespmem:s23], [sflag:$0x4] =	stream.indirect_vreg.gather [hbm4b:s4+s2], $0x80, v3, vm0, $0xb8;
	[tilespmem:$0x10100] =	vst v63  }
0x8f: {  	v3 =	vld [tilespmem:$0xB0];
	_ =	sdelay $0x4  }
0x90: {  	v63 =	vshll.u32 v3, $0x2  }
0x91: {  	v3 =	vand.u32 $0x7, v3;
	v4 =	vand.u32 $0xFFFFFFE0, v63  }
0x92: {  	v3 =	vor.u32 v3, v4  }
0x93: {  	v4 =	vperm.xlane v3, v0;
	_ =	sdelay $0x1  }
0x94: {  	v4 =	vadd.s32 v1, v4;
	_ =	sdelay $0x1  }
0x95: {  	v3 =	vperm.xlane v3, v2;
	_ =	sdelay $0x1  }
0x96: {  	v3 =	vadd.s32 v1, v3  }
0x97: {  	[tilespmem:s24], [sflag:$0x4] =	stream.indirect_vreg.gather [hbm4b:s3+s2], $0x80, v4, vm0, $0xb8;
	[tilespmem:$0x10100] =	vst v63  }
0x98: {  	_ = 	snop  }
0x99: {  	[tilespmem:s25], [sflag:$0x4] =	stream.indirect_vreg.gather [hbm4b:s4+s2], $0x80, v4, vm0, $0xb8;
	[tilespmem:$0x10100] =	vst v63  }
0x9a: {  	_ = 	snop  }
0x9b: {  	[tilespmem:s26], [sflag:$0x4] =	stream.indirect_vreg.gather [hbm4b:s3+s2], $0x80, v3, vm0, $0xb8;
	[tilespmem:$0x10100] =	vst v63  }
0x9c: {  	_ = 	snop  }
0x9d: {  	[tilespmem:s28], [sflag:$0x4] =	stream.indirect_vreg.gather [hbm4b:s4+s2], $0x80, v3, vm0, $0xb8;
	[tilespmem:$0x10100] =	vst v63  }
0x9e: {  	_ =	swait.ge [sflag:s29], $0x8000  }
0x9f: {  	[sflag:s29] =	ssyncset.done $0x0  }
0xa0: {  	s9 =	rddreg [dreg:$0x4];
	[sflag:s29] =	ssyncadd.s32 $0xFFFF8000  }
0xa1: {  	[hbm4b:s9+s2] =	stream.linear.scatter [tilespmem:s8], [sflag:$0x5], $0x8000, $0x38;
	[tilespmem:$0x10100] =	vst v63  }
0xa2: {  	_ =	swait.ge [sflag:s30], $0x8000  }
0xa3: {  	[sflag:s30] =	ssyncset.done $0x0  }
0xa4: {  	s10 =	rddreg [dreg:$0x5];
	[sflag:s30] =	ssyncadd.s32 $0xFFFF8000  }
0xa5: {  	[hbm4b:s10+s2] =	stream.linear.scatter [tilespmem:s12], [sflag:$0x6], $0x8000, $0x38;
	[tilespmem:$0x10100] =	vst v63  }
0xa6: {  	p0 =	sne.s32 s5, $0x1;
	_ =	swait.ge [sflag:s31], $0x8000  }
.Ltmp0:
0xa7: {  	[sflag:s31] =	ssyncset.done $0x0;
	(pc) =	sbr.rel @p0 .LBB2_1-.Ltmp0, $4  }
0xa8: {  	[sflag:s31] =	ssyncadd.s32 $0xFFFF8000  }
0xa9: {  	_ =	swait.ge [sflag:s1], $0x8000  }
0xaa: {  	[sflag:s1] =	ssyncset.done $0x0  }
0xab: {  	s5 =	sadd.s32 $0xFFFFFFFF, s5;
	[sflag:s1] =	ssyncadd.s32 $0xFFFF8000  }
0xac: {  	_ =	sfence.sel $0x180000  }
0xad: {  	[bflag:$0x0] =	sbarrier.arrive $0xFFFF  }
0xae: {  	_ =	strace $0x9000004A  }
0xaf: {  	s0 =	stileid.u32;
	[bflag:$0x2] =	sbarrier.arrive $0xFFFF  }
0xb0: {  	p0 =	sne.s32 s0, $0x0;
	s0 =	rddreg [dreg:$0x1]  }
0xb1: {  	s0 =	sadd.s32 @!p0 $0x100000, s0  }
0xb2: {  	[sflag:s0] =	ssyncadd.tile.s32 @!p0 $0x1;
	_ =	shalt  }
.Lfunc_end2:
_tile_overlayer_lowered:
.L_overlay_start_2:
0xb3: {  	(tag) =	ssettag $0x2  }
0xb4: {  	s0 =	rddreg [dreg:$0x0];
	s2 =	stileid.u32  }
0xb5: {  	s1 =	rddreg [dreg:$0x1];
	p0 =	sne.s32 s2, $0x0  }
0xb6: {  	s3 =	rddreg [dreg:$0x2];
	[bflag:$0x3] =	sbarrier.arrive $0xFFFF;
	s2 =	simm.s32 @!p0 $0x1C07  }
0xb7: {  	[timem:s3], [sflag:s2] =	dma.local @!p0 [hbm:s0], s1  }
0xb8: {  	s0 =	simm.s32 @!p0 $0x7  }
0xb9: {  	_ =	swait.ge @!p0 [sflag:s0], s1  }
0xba: {  	s1 =	ssub.s32 @!p0 $0x0, s1;
	[sflag:s0] =	ssyncset.done @!p0 $0x0  }
0xbb: {  	[sflag:s0] =	ssyncadd.s32 @!p0 s1  }
0xbc: {  	[bflag:$0x3] =	sbarrier.arrive $0xFFFF  }
0xbd: {  	_ =	shalt  }

// kernel: kernel.7.cloned.1.call-start
scs
__scs_entry_jumppad:
0x0: {  	(pc) =	sbr.rel $0x88, $3  }
0x1: {  	(tag) =	ssettag $0x0;
	lr =	simm.s32 $0x1  }
0x2: {  	[smem:$0x3F95] =	sst lr;
	_ =	strace $0xD0000000  }
0x3: {  	_ = 	snop  }
0x4: {  	_ = 	snop  }
0x5: {  	_ = 	snop  }
0x6: {  	_ = 	snop  }
0x7: {  	_ = 	snop  }
__scs_overlays_trampoline_lowered:
0x8: {  	[smem:$0x3FA4] =	sst s0  }
0x9: {  	[smem:$0x3FA5] =	sst s1  }
0xa: {  	[smem:$0x3FA6] =	sst s2  }
0xb: {  	[smem:$0x3FA7] =	sst s3  }
0xc: {  	[smem:$0x3FA8] =	sst s4  }
0xd: {  	[smem:$0x3FA9] =	sst s5  }
0xe: {  	[smem:$0x3FAA] =	sst s6  }
0xf: {  	[smem:$0x3FAB] =	sst s7  }
0x10: {  	[smem:$0x3FAC] =	sst s8  }
0x11: {  	[smem:$0x3FAD] =	sst s9;
	s0 =	simm.s32 @!p0 $0x0  }
0x12: {  	s1 =	sld [smem:$0x3F93];
	s0 =	simm.s32 @p0 $0x1  }
0x13: {  	[smem:$0x3FAE] =	sst s0;
	s0 =	simm.s32 @!p1 $0x0  }
0x14: {  	s2 =	sld [smem:$0x3F92];
	s0 =	simm.s32 @p1 $0x1  }
0x15: {  	[smem:$0x3FAF] =	sst s0;
	s0 =	simm.s32 @!p2 $0x0  }
0x16: {  	s3 =	sld [smem:$0x3FDB];
	s0 =	simm.s32 @p2 $0x1  }
0x17: {  	s4 =	simm.s32 $0x1BF5;
	[smem:$0x3FB1] =	sst s0  }
0x18: {  	s0 =	sld [smem:$0x3F94];
	_ =	swait.ge [sflag:s4], $0x0  }
0x19: {  	s7 =	sld [smem:$0x3F95]  }
0x1a: {  	s8 =	sadd.s32 $0xFFFFE003, lr  }
0x1b: {  	s9 =	sadd.s32 $0xFFFFFEF7, lr;
	s5 =	simm.s32 $0xFFFFFFFF;
	p2 =	slt.u32 s8, $0xFFFFF086  }
0x1c: {  	p1 =	slt.u32 s9, $0xF7A;
	s5 =	simm.s32 @!p2 $0x0  }
0x1d: {  	s5 =	simm.s32 @p1 $0x1;
	p0 =	seq.s32 s7, s2  }
0x1e: {  	s7 =	smul.u32 @!p0 $0xF7A, s2;
	p2 =	seq.s32 @!p0 s5, $0x0  }
0x1f: {  	s9 =	smul.u32 $0xF7A, s1;
	s8 =	simm.s32 @!p0 $0x1BF5;
	p2 =	por !p2, p0  }
0x20: {  	[sflag:s8] =	ssyncset.s32 @!p0 $0xFFFFF086;
	s6 =	sadd.s32 @!p0 s3, s7;
	s7 =	simm.s32 @!p0 $0x108  }
0x21: {  	s3 =	sadd.s32 s3, s9;
	s6 =	sadd.s32 @!p0 $0x88, s6;
	s7 =	simm.s32 @p2 $0x1082  }
0x22: {  	[simem:s7], [sflag:s8] =	dma.local @!p0 [hbm:s6], $0xF7A  }
0x23: {  	s9 =	sor.u32 $0xD0000000, s2;
	s6 =	simm.s32 $0x108;
	_ =	swait.ge @!p0 [sflag:s8], $0x0  }
0x24: {  	s3 =	sadd.s32 $0x88, s3;
	s6 =	simm.s32 @!p1 $0x1082;
	[sflag:s4] =	ssyncset.s32 $0xFFFFF086  }
0x25: {  	[simem:s6], [sflag:s4] =	dma.local [hbm:s3], $0xF7A  }
0x26: {  	[smem:$0x3F95] =	sst s1;
	(tag) =	ssettag s2;
	_ =	strace s9  }
0x27: {  	s1 =	sld [smem:$0x3FA5]  }
0x28: {  	s2 =	sld [smem:$0x3FA6]  }
0x29: {  	s4 =	sld [smem:$0x3FA8]  }
0x2a: {  	p0 =	seq.s32 s5, $0x0;
	s5 =	sld [smem:$0x3FA9]  }
0x2b: {  	s6 =	sld [smem:$0x3FAA]  }
0x2c: {  	s7 =	sld [smem:$0x3FAB]  }
0x2d: {  	s3 =	simm.s32 $0x108;
	s8 =	sld [smem:$0x3FAC]  }
0x2e: {  	s3 =	simm.s32 @!p0 $0x1082;
	s9 =	sld [smem:$0x3FAD]  }
0x2f: {  	lr =	sadd.s32 s0, s3;
	s0 =	sld [smem:$0x3FA4]  }
0x30: {  	s3 =	sld [smem:$0x3FA7]  }
0x31: {  	[smem:$0x3FB0] =	sst s10  }
0x32: {  	s10 =	sld [smem:$0x3FAE];
	_ =	sdelay $0x3  }
0x33: {  	p0 =	seq.s32 s10, $0x1;
	s10 =	sld [smem:$0x3FB0];
	_ =	sdelay $0x3  }
0x34: {  	[smem:$0x3FB0] =	sst s10  }
0x35: {  	s10 =	sld [smem:$0x3FAF];
	_ =	sdelay $0x3  }
0x36: {  	p1 =	seq.s32 s10, $0x1;
	s10 =	sld [smem:$0x3FB0];
	_ =	sdelay $0x3  }
0x37: {  	[smem:$0x3FB0] =	sst s10  }
0x38: {  	s10 =	sld [smem:$0x3FB1]  }
0x39: {  	_ = 	snop;
	(pc) =	sbr.ind lr, $3  }
0x3a: {  	_ = 	snop  }
0x3b: {  	_ = 	snop  }
0x3c: {  	p2 =	seq.s32 s10, $0x1;
	s10 =	sld [smem:$0x3FB0]  }
0x3d: {  	_ =	shalt  }
0x3e: {  	_ =	shalt  }
0x3f: {  	_ =	shalt  }
0x40: {  	_ =	shalt  }
0x41: {  	_ =	shalt  }
0x42: {  	_ =	shalt  }
0x43: {  	_ =	shalt  }
0x44: {  	_ =	shalt  }
0x45: {  	_ =	shalt  }
0x46: {  	_ =	shalt  }
0x47: {  	_ =	shalt  }
0x48: {  	_ =	shalt  }
0x49: {  	_ =	shalt  }
0x4a: {  	_ =	shalt  }
0x4b: {  	_ =	shalt  }
0x4c: {  	_ =	shalt  }
0x4d: {  	_ =	shalt  }
0x4e: {  	_ =	shalt  }
0x4f: {  	_ =	shalt  }
0x50: {  	_ =	shalt  }
0x51: {  	_ =	shalt  }
0x52: {  	_ =	shalt  }
0x53: {  	_ =	shalt  }
0x54: {  	_ =	shalt  }
0x55: {  	_ =	shalt  }
0x56: {  	_ =	shalt  }
0x57: {  	_ =	shalt  }
0x58: {  	_ =	shalt  }
0x59: {  	_ =	shalt  }
0x5a: {  	_ =	shalt  }
0x5b: {  	_ =	shalt  }
0x5c: {  	_ =	shalt  }
0x5d: {  	_ =	shalt  }
0x5e: {  	_ =	shalt  }
0x5f: {  	_ =	shalt  }
0x60: {  	_ =	shalt  }
0x61: {  	_ =	shalt  }
0x62: {  	_ =	shalt  }
0x63: {  	_ =	shalt  }
0x64: {  	_ =	shalt  }
0x65: {  	_ =	shalt  }
0x66: {  	_ =	shalt  }
0x67: {  	_ =	shalt  }
0x68: {  	_ =	shalt  }
0x69: {  	_ =	shalt  }
0x6a: {  	_ =	shalt  }
0x6b: {  	_ =	shalt  }
0x6c: {  	_ =	shalt  }
0x6d: {  	_ =	shalt  }
0x6e: {  	_ =	shalt  }
0x6f: {  	_ =	shalt  }
0x70: {  	_ =	shalt  }
0x71: {  	_ =	shalt  }
0x72: {  	_ =	shalt  }
0x73: {  	_ =	shalt  }
0x74: {  	_ =	shalt  }
0x75: {  	_ =	shalt  }
0x76: {  	_ =	shalt  }
0x77: {  	_ =	shalt  }
0x78: {  	_ =	shalt  }
0x79: {  	_ =	shalt  }
0x7a: {  	_ =	shalt  }
0x7b: {  	_ =	shalt  }
0x7c: {  	_ =	shalt  }
0x7d: {  	_ =	shalt  }
0x7e: {  	_ =	shalt  }
0x7f: {  	_ =	shalt  }
0x80: {  	_ =	shalt  }
0x81: {  	_ =	shalt  }
0x82: {  	_ =	shalt  }
0x83: {  	_ =	shalt  }
0x84: {  	_ =	shalt  }
0x85: {  	_ =	shalt  }
0x86: {  	_ =	shalt  }
0x87: {  	_ =	shalt  }
.Lfunc_end0:
.L_simem_size_0:
called_computation_lowered:
.L_overlay_start_0:
0x88: {  	s2 =	sld [smem:$0x3FD9]  }
0x89: {  	s3 =	sld [smem:$0x3FFE];
	_ =	sdelay $0x1  }
0x8a: {  	s1 =	srdreg.scid  }
0x8b: {  	s0 =	sand.u32 $0x1, s1  }
0x8c: {  	s16 =	sshll.u32 s0, $0xA;
	s2 =	sadd.s32 s3, s2  }
0x8d: {  	s2 =	sadd.s32 s2, s16  }
0x8e: {  	[smem:$0x3FBC] =	sst s2  }
0x8f: {  	_ = 	snop  }
0x90: {  	(tm) =	ssettm $0x1  }
0x91: {  	s17 =	sld [smem:$0x3FFB];
	_ =	sdelay $0x3  }
0x92: {  	_ =	strace s17  }
0x93: {  	s2 =	sld [smem:$0x3FFC];
	_ =	sdelay $0x3  }
0x94: {  	_ =	strace s2  }
0x95: {  	s2 =	sld [smem:$0x3FFD];
	_ =	sdelay $0x3  }
0x96: {  	_ =	strace s2  }
0x97: {  	_ =	strace $0x8FFFFFFF  }
0x98: {  	s18 =	sld [smem:$0x3FDB];
	_ =	sdelay $0x1  }
0x99: {  	s19 =	simm.s32 $_scs_section_size  }
0x9a: {  	s4 =	simm.s32 $_size__tile_overlayer_lowered;
	s5 =	simm.s32 $_tile_overlayer_lowered  }
0x9b: {  	s22 =	simm.s32 $0x1BFF;
	s21 =	sshll.u32 s5, $0x1;
	s2 =	sadd.s32 s19, s18  }
0x9c: {  	s6 =	simm.s32 $0x0;
	s20 =	sshll.u32 s4, $0x1;
	s4 =	sadd.s32 s21, s2  }
0x9d: {  	[timem:s6], [sflag:s22] =	dma.local [hbm:s4], s20  }
0x9e: {  	_ =	swait.ge [sflag:s22], s20  }
0x9f: {  	s3 =	ssub.s32 $0x0, s20;
	[sflag:s22] =	ssyncset.done $0x0  }
0xa0: {  	[sflag:s22] =	ssyncadd.s32 s3;
	_ =	sdelay $0x1  }
0xa1: {  	s23 =	simm.s32 $0x1B8B  }
0xa2: {  	_ =	swait.ge [sflag:s23], $0x1  }
0xa3: {  	[sflag:s23] =	ssyncset.done $0x0  }
0xa4: {  	s25 =	simm.s32 $0x1B8E;
	s24 =	sld [smem:$0x3FFE];
	[sflag:s23] =	ssyncadd.s32 $0xFFFFFFFF  }
0xa5: {  	s26 =	simm.s32 $execute0_lowered;
	[smem:$0x3FD2] =	sst s25  }
0xa6: {  	s4 =	sshll.u32 s26, $0x1;
	_ =	strace $0x80000046;
	[dreg:$0x1] =	wrdreg $0xFFFFFFFF  }
0xa7: {  	s28 =	simm.s32 $_size_execute0_lowered;
	s2 =	sadd.s32 s2, s4;
	[dreg:$0x0] =	wrdreg $0x0  }
0xa8: {  	s4 =	sshll.u32 s28, $0x1;
	[dreg:$0x2] =	wrdreg s2  }
0xa9: {  	[dreg:$0x3] =	wrdreg s4  }
0xaa: {  	[dreg:$0x4] =	wrdreg $0xC0  }
0xab: {  	_ =	task [dreg:s6], $0x5FFFF  }
0xac: {  	[dreg:$0x1] =	wrdreg $0xFFFFFFFF  }
0xad: {  	[dreg:$0x0] =	wrdreg $0x60  }
0xae: {  	[dreg:$0x2] =	wrdreg s24  }
0xaf: {  	[dreg:$0x3] =	wrdreg $0x9  }
0xb0: {  	_ =	task.clear_ibuf [dreg:s6], $0x4FFFF;
	_ =	strace $0x90000046  }
0xb1: {  	s29 =	simm.s32 $0x9;
	_ =	strace $0x80000048  }
0xb2: {  	_ =	swait.ge [sflag:s29], $0x1  }
0xb3: {  	[sflag:s29] =	ssyncadd.s32 $0xFFFFFFFF  }
0xb4: {  	_ =	strace $0x90000048  }
0xb5: {  	_ =	sfence  }
0xb6: {  	s30 =	sld [smem:$0x0];
	_ =	sdelay $0x2  }
0xb7: {  	s31 =	sshll.u32 s1, $0xD;
	s1 =	sshrl.u32 s1, $0x2  }
0xb8: {  	s3 =	sand.u32 $0x4000, s31;
	s1 =	sadd.s32 s1, s30  }
0xb9: {  	s0 =	sor.u32 s3, s0;
	s1 =	sshll.u32 s1, $0x11  }
0xba: {  	s0 =	sor.u32 s1, s0  }
0xbb: {  	s0 =	sadd.s32 $0x8F2B, s0  }
0xbc: {  	[sflag:s0] =	ssyncadd.remote.s32 $0x1  }
0xbd: {  	_ =	sfence.sel $0xFFFF  }
0xbe: {  	[dreg:$0x0] =	wrdreg $0xFFFFFFFF;
	(pc) =	sbr.abs _section_cstart, $3  }
0xbf: {  	[dreg:$0x1] =	wrdreg $0xFFFFFFFF  }
0xc0: {  	_ =	task.clear_ibuf [dreg:s6], $0x2FFFF;
	_ =	strace $0x9FFFFFFF  }
0xc1: {  	(tm) =	ssettm $0x7FFFFFFF  }
tec
execute0_lowered:
.L_overlay_start_1:
0x0: {  	(tag) =	ssettag $0x1  }
0x1: {  	s7 =	rddreg [dreg:$0x0]  }
0x2: {  	s0 =	rddreg [dreg:$0x1];
	s3 =	srdreg.scid  }
0x3: {  	s1 =	stileid.u32;
	s2 =	simm.s32 $0x0;
	s10 =	simm.s32 $0x80  }
0x4: {  	s11 =	simm.s32 $0x1;
	s12 =	simm.s32 $0x2;
	s13 =	simm.s32 $0x3  }
0x5: {  	s14 =	simm.s32 $0x900;
	s15 =	simm.s32 $0x1100;
	s16 =	simm.s32 $0x1900  }
0x6: {  	s17 =	simm.s32 $0x2100;
	s18 =	simm.s32 $0x2900;
	s19 =	simm.s32 $0x3100  }
0x7: {  	s20 =	simm.s32 $0x3900;
	s21 =	simm.s32 $0x4100;
	s22 =	simm.s32 $0x4900  }
0x8: {  	s23 =	simm.s32 $0x5100;
	s28 =	simm.s32 $0x7100;
	s29 =	simm.s32 $0x7900  }
0x9: {  	s30 =	simm.s32 $0x4;
	s3 =	sand.u32 $0x1, s3;
	s4 =	sshll.u32 s1, $0x1  }
0xa: {  	s31 =	simm.s32 $0x5;
	[smem:$0x7FF] =	sst s2;
	s4 =	sor.u32 s3, s4  }
0xb: {  	_ =	strace $0x80000047;
	s6 =	ssub.s32 $0x2, s3;
	s3 =	sadd.s32 $0x22600, s7  }
0xc: {  	s5 =	sshll.u32 s4, $0x4;
	s24 =	sshll.u32 s4, $0xC;
	s25 =	sshrl.u32 s6, $0x1  }
0xd: {  	s8 =	sadd.s32 s5, s7;
	s26 =	sadd.s32 s24, s7;
	s9 =	ssub.s32 s6, s25  }
0xe: {  	v2 =	vlaneseq.u32;
	s7 =	sadd.s32 $0x22700, s7;
	s24 =	simm.s32 $0x5900;
	s25 =	simm.s32 $0x6100  }
0xf: {  	vm0 =	vmmov $0xffff;
	v1 =	vshrl.u32 v2, $0x3;
	s4 =	sadd.s32 $0x2200, s26;
	s5 =	sadd.s32 $0x22400, s8;
	s6 =	sadd.s32 $0x22200, s8  }
0x10: {  	v0 =	vand.u32 $0x7, v2;
	v2 =	vor.u32 $0x8, v2;
	v1 =	vmul.u32 $0x8, v1;
	s8 =	smax.u32 s9, $0x1;
	s9 =	simm.s32 $0x100;
	s26 =	simm.s32 $0x6900  }
.LBB2_1:
0x11: {  	[tilespmem:s9], [sflag:$0x1] =	stream.linear.gather [hbm4b:s4+s2], $0x8000, $0x38;
	[tilespmem:$0x8100] =	vst v63  }
0x12: {  	_ = 	snop  }
0x13: {  	[tilespmem:s2], [sflag:$0x2] =	stream.linear.gather [hbm4b:s5+s2], $0x80, $0x38;
	[tilespmem:$0x8100] =	vst v63  }
0x14: {  	_ = 	snop  }
0x15: {  	[tilespmem:s10], [sflag:$0x3] =	stream.linear.gather [hbm4b:s6+s2], $0x80, $0x38;
	[tilespmem:$0x8100] =	vst v63  }
0x16: {  	_ =	swait.ge [sflag:s11], $0x8000  }
0x17: {  	[sflag:s11] =	ssyncset.done $0x0  }
0x18: {  	[sflag:s11] =	ssyncadd.s32 $0xFFFF8000  }
0x19: {  	_ =	swait.ge [sflag:s12], $0x80  }
0x1a: {  	[sflag:s12] =	ssyncset.done $0x0  }
0x1b: {  	[sflag:s12] =	ssyncadd.s32 $0xFFFFFF80  }
0x1c: {  	_ =	swait.ge [sflag:s13], $0x80  }
0x1d: {  	[sflag:s13] =	ssyncset.done $0x0  }
0x1e: {  	[sflag:s13] =	ssyncadd.s32 $0xFFFFFF80  }
0x1f: {  	v3 =	vld [tilespmem:$0x0];
	_ =	sdelay $0x4  }
0x20: {  	v4 =	vshll.u32 v3, $0x2  }
0x21: {  	v3 =	vand.u32 $0x7, v3;
	v4 =	vand.u32 $0xFFFFFFE0, v4  }
0x22: {  	v3 =	vor.u32 v3, v4  }
0x23: {  	v4 =	vperm.xlane v3, v0;
	_ =	sdelay $0x1  }
0x24: {  	v4 =	vadd.s32 v1, v4;
	_ =	sdelay $0x1  }
0x25: {  	v3 =	vperm.xlane v3, v2;
	_ =	sdelay $0x1  }
0x26: {  	v3 =	vadd.s32 v1, v3  }
0x27: {  	[hbm4b:s3+s2] =	stream.indirect_vreg.scatter [tilespmem:s9], [sflag:$0x4], $0x80, v4, vm0, $0xb8;
	[tilespmem:$0x8100] =	vst v63  }
0x28: {  	_ = 	snop  }
0x29: {  	[hbm4b:s7+s2] =	stream.indirect_vreg.scatter [tilespmem:s14], [sflag:$0x4], $0x80, v4, vm0, $0xb8;
	[tilespmem:$0x8100] =	vst v63  }
0x2a: {  	_ = 	snop  }
0x2b: {  	[hbm4b:s3+s2] =	stream.indirect_vreg.scatter [tilespmem:s15], [sflag:$0x4], $0x80, v3, vm0, $0xb8;
	[tilespmem:$0x8100] =	vst v63  }
0x2c: {  	_ = 	snop  }
0x2d: {  	[hbm4b:s7+s2] =	stream.indirect_vreg.scatter [tilespmem:s16], [sflag:$0x4], $0x80, v3, vm0, $0xb8;
	[tilespmem:$0x8100] =	vst v63  }
0x2e: {  	v3 =	vld [tilespmem:$0x10];
	_ =	sdelay $0x4  }
0x2f: {  	v57 =	vshll.u32 v3, $0x2  }
0x30: {  	v3 =	vand.u32 $0x7, v3;
	v4 =	vand.u32 $0xFFFFFFE0, v57  }
0x31: {  	v3 =	vor.u32 v3, v4  }
0x32: {  	v4 =	vperm.xlane v3, v0;
	_ =	sdelay $0x1  }
0x33: {  	v4 =	vadd.s32 v1, v4;
	_ =	sdelay $0x1  }
0x34: {  	v3 =	vperm.xlane v3, v2;
	_ =	sdelay $0x1  }
0x35: {  	v3 =	vadd.s32 v1, v3  }
0x36: {  	[hbm4b:s3+s2] =	stream.indirect_vreg.scatter [tilespmem:s17], [sflag:$0x4], $0x80, v4, vm0, $0xb8;
	[tilespmem:$0x8100] =	vst v63  }
0x37: {  	_ = 	snop  }
0x38: {  	[hbm4b:s7+s2] =	stream.indirect_vreg.scatter [tilespmem:s18], [sflag:$0x4], $0x80, v4, vm0, $0xb8;
	[tilespmem:$0x8100] =	vst v63  }
0x39: {  	_ = 	snop  }
0x3a: {  	[hbm4b:s3+s2] =	stream.indirect_vreg.scatter [tilespmem:s19], [sflag:$0x4], $0x80, v3, vm0, $0xb8;
	[tilespmem:$0x8100] =	vst v63  }
0x3b: {  	_ = 	snop  }
0x3c: {  	[hbm4b:s7+s2] =	stream.indirect_vreg.scatter [tilespmem:s20], [sflag:$0x4], $0x80, v3, vm0, $0xb8;
	[tilespmem:$0x8100] =	vst v63  }
0x3d: {  	v3 =	vld [tilespmem:$0x20];
	_ =	sdelay $0x4  }
0x3e: {  	v58 =	vshll.u32 v3, $0x2  }
0x3f: {  	v3 =	vand.u32 $0x7, v3;
	v4 =	vand.u32 $0xFFFFFFE0, v58  }
0x40: {  	v3 =	vor.u32 v3, v4  }
0x41: {  	v4 =	vperm.xlane v3, v0;
	_ =	sdelay $0x1  }
0x42: {  	v4 =	vadd.s32 v1, v4;
	_ =	sdelay $0x1  }
0x43: {  	v3 =	vperm.xlane v3, v2;
	_ =	sdelay $0x1  }
0x44: {  	v3 =	vadd.s32 v1, v3  }
0x45: {  	[hbm4b:s3+s2] =	stream.indirect_vreg.scatter [tilespmem:s21], [sflag:$0x4], $0x80, v4, vm0, $0xb8;
	[tilespmem:$0x8100] =	vst v63  }
0x46: {  	_ = 	snop  }
0x47: {  	[hbm4b:s7+s2] =	stream.indirect_vreg.scatter [tilespmem:s22], [sflag:$0x4], $0x80, v4, vm0, $0xb8;
	[tilespmem:$0x8100] =	vst v63  }
0x48: {  	_ = 	snop  }
0x49: {  	[hbm4b:s3+s2] =	stream.indirect_vreg.scatter [tilespmem:s23], [sflag:$0x4], $0x80, v3, vm0, $0xb8;
	[tilespmem:$0x8100] =	vst v63  }
0x4a: {  	_ = 	snop  }
0x4b: {  	[hbm4b:s7+s2] =	stream.indirect_vreg.scatter [tilespmem:s24], [sflag:$0x4], $0x80, v3, vm0, $0xb8;
	[tilespmem:$0x8100] =	vst v63  }
0x4c: {  	v3 =	vld [tilespmem:$0x30];
	_ =	sdelay $0x4  }
0x4d: {  	v59 =	vshll.u32 v3, $0x2  }
0x4e: {  	v3 =	vand.u32 $0x7, v3;
	v4 =	vand.u32 $0xFFFFFFE0, v59  }
0x4f: {  	v3 =	vor.u32 v3, v4  }
0x50: {  	v4 =	vperm.xlane v3, v0;
	_ =	sdelay $0x1  }
0x51: {  	v4 =	vadd.s32 v1, v4;
	_ =	sdelay $0x1  }
0x52: {  	v3 =	vperm.xlane v3, v2;
	_ =	sdelay $0x1  }
0x53: {  	v3 =	vadd.s32 v1, v3  }
0x54: {  	[hbm4b:s3+s2] =	stream.indirect_vreg.scatter [tilespmem:s25], [sflag:$0x4], $0x80, v4, vm0, $0xb8;
	[tilespmem:$0x8100] =	vst v63  }
0x55: {  	_ = 	snop  }
0x56: {  	[hbm4b:s7+s2] =	stream.indirect_vreg.scatter [tilespmem:s26], [sflag:$0x4], $0x80, v4, vm0, $0xb8;
	[tilespmem:$0x8100] =	vst v63  }
0x57: {  	_ = 	snop  }
0x58: {  	[hbm4b:s3+s2] =	stream.indirect_vreg.scatter [tilespmem:s28], [sflag:$0x4], $0x80, v3, vm0, $0xb8;
	[tilespmem:$0x8100] =	vst v63  }
0x59: {  	_ = 	snop  }
0x5a: {  	[hbm4b:s7+s2] =	stream.indirect_vreg.scatter [tilespmem:s29], [sflag:$0x4], $0x80, v3, vm0, $0xb8;
	[tilespmem:$0x8100] =	vst v63  }
0x5b: {  	v3 =	vld [tilespmem:$0x80];
	_ =	sdelay $0x4  }
0x5c: {  	v60 =	vshll.u32 v3, $0x2  }
0x5d: {  	v3 =	vand.u32 $0x7, v3;
	v4 =	vand.u32 $0xFFFFFFE0, v60  }
0x5e: {  	v3 =	vor.u32 v3, v4  }
0x5f: {  	v4 =	vperm.xlane v3, v0;
	_ =	sdelay $0x1  }
0x60: {  	v4 =	vadd.s32 v1, v4;
	_ =	sdelay $0x1  }
0x61: {  	v3 =	vperm.xlane v3, v2;
	_ =	sdelay $0x1  }
0x62: {  	v3 =	vadd.s32 v1, v3  }
0x63: {  	[hbm4b:s3+s2] =	stream.indirect_vreg.scatter [tilespmem:s9], [sflag:$0x5], $0x80, v4, vm0, $0xb8;
	[tilespmem:$0x8100] =	vst v63  }
0x64: {  	_ = 	snop  }
0x65: {  	[hbm4b:s7+s2] =	stream.indirect_vreg.scatter [tilespmem:s14], [sflag:$0x5], $0x80, v4, vm0, $0xb8;
	[tilespmem:$0x8100] =	vst v63  }
0x66: {  	_ = 	snop  }
0x67: {  	[hbm4b:s3+s2] =	stream.indirect_vreg.scatter [tilespmem:s15], [sflag:$0x5], $0x80, v3, vm0, $0xb8;
	[tilespmem:$0x8100] =	vst v63  }
0x68: {  	_ = 	snop  }
0x69: {  	[hbm4b:s7+s2] =	stream.indirect_vreg.scatter [tilespmem:s16], [sflag:$0x5], $0x80, v3, vm0, $0xb8;
	[tilespmem:$0x8100] =	vst v63  }
0x6a: {  	v3 =	vld [tilespmem:$0x90];
	_ =	sdelay $0x4  }
0x6b: {  	v61 =	vshll.u32 v3, $0x2  }
0x6c: {  	v3 =	vand.u32 $0x7, v3;
	v4 =	vand.u32 $0xFFFFFFE0, v61  }
0x6d: {  	v3 =	vor.u32 v3, v4  }
0x6e: {  	v4 =	vperm.xlane v3, v0;
	_ =	sdelay $0x1  }
0x6f: {  	v4 =	vadd.s32 v1, v4;
	_ =	sdelay $0x1  }
0x70: {  	v3 =	vperm.xlane v3, v2;
	_ =	sdelay $0x1  }
0x71: {  	v3 =	vadd.s32 v1, v3  }
0x72: {  	[hbm4b:s3+s2] =	stream.indirect_vreg.scatter [tilespmem:s17], [sflag:$0x5], $0x80, v4, vm0, $0xb8;
	[tilespmem:$0x8100] =	vst v63  }
0x73: {  	_ = 	snop  }
0x74: {  	[hbm4b:s7+s2] =	stream.indirect_vreg.scatter [tilespmem:s18], [sflag:$0x5], $0x80, v4, vm0, $0xb8;
	[tilespmem:$0x8100] =	vst v63  }
0x75: {  	_ = 	snop  }
0x76: {  	[hbm4b:s3+s2] =	stream.indirect_vreg.scatter [tilespmem:s19], [sflag:$0x5], $0x80, v3, vm0, $0xb8;
	[tilespmem:$0x8100] =	vst v63  }
0x77: {  	_ = 	snop  }
0x78: {  	[hbm4b:s7+s2] =	stream.indirect_vreg.scatter [tilespmem:s20], [sflag:$0x5], $0x80, v3, vm0, $0xb8;
	[tilespmem:$0x8100] =	vst v63  }
0x79: {  	v3 =	vld [tilespmem:$0xA0];
	_ =	sdelay $0x4  }
0x7a: {  	v62 =	vshll.u32 v3, $0x2  }
0x7b: {  	v3 =	vand.u32 $0x7, v3;
	v4 =	vand.u32 $0xFFFFFFE0, v62  }
0x7c: {  	v3 =	vor.u32 v3, v4  }
0x7d: {  	v4 =	vperm.xlane v3, v0;
	_ =	sdelay $0x1  }
0x7e: {  	v4 =	vadd.s32 v1, v4;
	_ =	sdelay $0x1  }
0x7f: {  	v3 =	vperm.xlane v3, v2;
	_ =	sdelay $0x1  }
0x80: {  	v3 =	vadd.s32 v1, v3  }
0x81: {  	[hbm4b:s3+s2] =	stream.indirect_vreg.scatter [tilespmem:s21], [sflag:$0x5], $0x80, v4, vm0, $0xb8;
	[tilespmem:$0x8100] =	vst v63  }
0x82: {  	_ = 	snop  }
0x83: {  	[hbm4b:s7+s2] =	stream.indirect_vreg.scatter [tilespmem:s22], [sflag:$0x5], $0x80, v4, vm0, $0xb8;
	[tilespmem:$0x8100] =	vst v63  }
0x84: {  	_ = 	snop  }
0x85: {  	[hbm4b:s3+s2] =	stream.indirect_vreg.scatter [tilespmem:s23], [sflag:$0x5], $0x80, v3, vm0, $0xb8;
	[tilespmem:$0x8100] =	vst v63  }
0x86: {  	_ = 	snop  }
0x87: {  	[hbm4b:s7+s2] =	stream.indirect_vreg.scatter [tilespmem:s24], [sflag:$0x5], $0x80, v3, vm0, $0xb8;
	[tilespmem:$0x8100] =	vst v63  }
0x88: {  	v3 =	vld [tilespmem:$0xB0];
	_ =	sdelay $0x4  }
0x89: {  	v63 =	vshll.u32 v3, $0x2  }
0x8a: {  	v3 =	vand.u32 $0x7, v3;
	v4 =	vand.u32 $0xFFFFFFE0, v63  }
0x8b: {  	v3 =	vor.u32 v3, v4  }
0x8c: {  	v4 =	vperm.xlane v3, v0;
	_ =	sdelay $0x1  }
0x8d: {  	v4 =	vadd.s32 v1, v4;
	_ =	sdelay $0x1  }
0x8e: {  	v3 =	vperm.xlane v3, v2;
	_ =	sdelay $0x1  }
0x8f: {  	v3 =	vadd.s32 v1, v3  }
0x90: {  	[hbm4b:s3+s2] =	stream.indirect_vreg.scatter [tilespmem:s25], [sflag:$0x5], $0x80, v4, vm0, $0xb8;
	[tilespmem:$0x8100] =	vst v63  }
0x91: {  	_ = 	snop  }
0x92: {  	[hbm4b:s7+s2] =	stream.indirect_vreg.scatter [tilespmem:s26], [sflag:$0x5], $0x80, v4, vm0, $0xb8;
	[tilespmem:$0x8100] =	vst v63  }
0x93: {  	_ = 	snop  }
0x94: {  	[hbm4b:s3+s2] =	stream.indirect_vreg.scatter [tilespmem:s28], [sflag:$0x5], $0x80, v3, vm0, $0xb8;
	[tilespmem:$0x8100] =	vst v63  }
0x95: {  	_ = 	snop  }
0x96: {  	[hbm4b:s7+s2] =	stream.indirect_vreg.scatter [tilespmem:s29], [sflag:$0x5], $0x80, v3, vm0, $0xb8;
	[tilespmem:$0x8100] =	vst v63  }
0x97: {  	p0 =	sne.s32 s8, $0x1;
	_ =	swait.ge [sflag:s30], $0x8000  }
.Ltmp0:
0x98: {  	[sflag:s30] =	ssyncset.done $0x0;
	(pc) =	sbr.rel @p0 .LBB2_1-.Ltmp0, $4  }
0x99: {  	[sflag:s30] =	ssyncadd.s32 $0xFFFF8000  }
0x9a: {  	_ =	swait.ge [sflag:s31], $0x8000  }
0x9b: {  	[sflag:s31] =	ssyncset.done $0x0  }
0x9c: {  	s8 =	sadd.s32 $0xFFFFFFFF, s8;
	[sflag:s31] =	ssyncadd.s32 $0xFFFF8000  }
0x9d: {  	_ =	sfence.sel $0x180000  }
0x9e: {  	[bflag:$0x0] =	sbarrier.arrive $0xFFFF  }
0x9f: {  	p0 =	sne.s32 s1, $0x0;
	_ =	strace $0x90000047  }
0xa0: {  	s0 =	sadd.s32 @!p0 $0x100000, s0;
	[bflag:$0x2] =	sbarrier.arrive $0xFFFF  }
0xa1: {  	[sflag:s0] =	ssyncadd.tile.s32 @!p0 $0x1;
	_ =	shalt  }
.Lfunc_end2:
_tile_overlayer_lowered:
.L_overlay_start_2:
0xa2: {  	(tag) =	ssettag $0x2  }
0xa3: {  	s0 =	rddreg [dreg:$0x0];
	s2 =	stileid.u32  }
0xa4: {  	s1 =	rddreg [dreg:$0x1];
	p0 =	sne.s32 s2, $0x0  }
0xa5: {  	s3 =	rddreg [dreg:$0x2];
	[bflag:$0x3] =	sbarrier.arrive $0xFFFF;
	s2 =	simm.s32 @!p0 $0x1C06  }
0xa6: {  	[timem:s3], [sflag:s2] =	dma.local @!p0 [hbm:s0], s1  }
0xa7: {  	s0 =	simm.s32 @!p0 $0x6  }
0xa8: {  	_ =	swait.ge @!p0 [sflag:s0], s1  }
0xa9: {  	s1 =	ssub.s32 @!p0 $0x0, s1;
	[sflag:s0] =	ssyncset.done @!p0 $0x0  }
0xaa: {  	[sflag:s0] =	ssyncadd.s32 @!p0 s1  }
0xab: {  	[bflag:$0x3] =	sbarrier.arrive $0xFFFF  }
0xac: {  	_ =	shalt  }

</sc_bundles>
